<compile_context>
chip_gen: v7x
topology: tpu7x:2x2x1
jax: 0.10.2.dev20260603
libtpu: 0.0.44.dev20260713+nightly
codegen_flags: <defaults>
</compile_context>

<pallas_src>
import functools

import jax
import jax.numpy as jnp
from jax import lax
from jax.experimental import pallas as pl
from jax.experimental.pallas import tpu as pltpu
from jax.experimental.pallas import tpu_sc as plsc

_VOCAB = 1000000
_EMBED = 32
_NUM_CLASSES = 50
_PAD_IDX = 0
_BATCH = 4096
_SEQ = 200

_NC = 2
_NS = 16
_NW = _NC * _NS
_B_PER_W = _BATCH // _NW
_C0, _C1 = 120, 80
_LANES = 16

_mesh = plsc.VectorSubcoreMesh(core_axis_name="c", subcore_axis_name="s")


@functools.partial(
    pl.kernel,
    mesh=_mesh,
    out_type=jax.ShapeDtypeStruct((_BATCH, _EMBED), jnp.float32),
    compiler_params=pltpu.CompilerParams(use_tc_tiling_on_sc=False),
    name="sc_gather_sum",
    scratch_types=[
        pltpu.VMEM((_B_PER_W, _SEQ), jnp.int32),
        pltpu.VMEM((_SEQ, _EMBED), jnp.float32),
        pltpu.VMEM((_SEQ, _EMBED), jnp.float32),
        pltpu.VMEM((_B_PER_W, _EMBED), jnp.float32),
        pltpu.SemaphoreType.DMA,
        pltpu.SemaphoreType.DMA,
    ],
)
def _sc_sum(x_hbm, table_hbm, out_hbm, idx_v, buf0, buf1, sums_v, sem0, sem1):
    wid = lax.axis_index("s") * _NC + lax.axis_index("c")
    base = wid * _B_PER_W

    pltpu.sync_copy(x_hbm.at[pl.ds(base, _B_PER_W), :], idx_v)

    _cols = tuple(range(0, _SEQ - 15, 16)) + (_SEQ - 16,)
    _tail_lo = _SEQ - (_SEQ % 16)

    def to_slot(r, carry):
        for c in _cols:
            v = idx_v[r, pl.ds(c, 16)]
            g = ((v & jnp.int32(-8192))
                 | ((v & jnp.int32(2047)) << 2)
                 | ((v >> 11) & jnp.int32(3)))
            if c + 16 > _tail_lo and c != _tail_lo - 16:
                keep = lax.iota(jnp.int32, 16) < jnp.int32(_tail_lo - c)
                g = jnp.where(keep, v, g)
            idx_v[r, pl.ds(c, 16)] = g
        return carry

    lax.fori_loop(0, _B_PER_W, to_slot, 0)

    bufs = (buf0, buf1)
    sems = (sem0, sem1)

    def issue(r, buf, sem):
        pltpu.async_copy(table_hbm.at[idx_v.at[r, pl.ds(0, _C0)]],
                         buf.at[pl.ds(0, _C0)], sem)
        pltpu.async_copy(table_hbm.at[idx_v.at[r, pl.ds(_C0, _C1)]],
                         buf.at[pl.ds(_C0, _C1)], sem)

    def wait(r, buf, sem):
        pltpu.make_async_copy(table_hbm.at[idx_v.at[r, pl.ds(0, _C0)]],
                              buf.at[pl.ds(0, _C0)], sem).wait()
        pltpu.make_async_copy(table_hbm.at[idx_v.at[r, pl.ds(_C0, _C1)]],
                              buf.at[pl.ds(_C0, _C1)], sem).wait()

    issue(0, buf0, sem0)

    def outer(i, carry):
        for p in range(2):
            r = i * 2 + p
            nxt = r + 1

            @pl.when(nxt < _B_PER_W)
            def _():
                issue(nxt, bufs[1 - p], sems[1 - p])

            wait(r, bufs[p], sems[p])
            buf = bufs[p]

            def accum(j, acc):
                a0, a1 = acc
                for u in range(8):
                    row = j * 8 + u
                    a0 = a0 + buf[row, pl.ds(0, _LANES)]
                    a1 = a1 + buf[row, pl.ds(_LANES, _LANES)]
                return (a0, a1)

            zero = jnp.zeros((_LANES,), jnp.float32)
            a0, a1 = lax.fori_loop(0, _SEQ // 8, accum, (zero, zero))
            sums_v[r, pl.ds(0, _LANES)] = a0
            sums_v[r, pl.ds(_LANES, _LANES)] = a1
        return carry

    lax.fori_loop(0, _B_PER_W // 2, outer, 0)
    pltpu.sync_copy(sums_v, out_hbm.at[pl.ds(base, _B_PER_W)])


_DT_BLK = 8192
_DT_GRID = (_VOCAB + _DT_BLK - 1) // _DT_BLK
_DT_Q = _DT_BLK // 4
_TBL_ROWS = _DT_GRID * _DT_BLK


def _tc_detile(tT_ref, out_ref):
    t = tT_ref[...]
    tbig = jnp.concatenate(
        [t[:, p * _DT_Q:(p + 1) * _DT_Q] for p in range(4)], axis=0)
    out_ref[...] = tbig.T


def _detile(tableT):
    return pl.pallas_call(
        _tc_detile,
        grid=(_DT_GRID,),
        in_specs=[pl.BlockSpec((_EMBED, _DT_BLK), lambda i: (0, i))],
        out_specs=pl.BlockSpec((_DT_Q, 4 * _EMBED), lambda i: (i, 0)),
        out_shape=jax.ShapeDtypeStruct((_DT_GRID * _DT_Q, 4 * _EMBED),
                                       jnp.float32),
    )(tableT)


def _tc_head(summed_ref, x_ref, w_ref, b_ref, out_ref):
    xb = x_ref[...]
    cnt = jnp.sum((xb != _PAD_IDX).astype(jnp.float32), axis=1, keepdims=True)
    cnt = jnp.maximum(cnt, 1.0)
    avg = summed_ref[...] / cnt
    out_ref[...] = (
        jnp.dot(avg, w_ref[...], preferred_element_type=jnp.float32)
        + b_ref[...]
    )


_TC_BLK = 512


def kernel(x, table, W, b):
    table_rm = _detile(table.T).reshape(_TBL_ROWS, _EMBED)
    summed = _sc_sum(x, table_rm)
    grid = (_BATCH // _TC_BLK,)
    out = pl.pallas_call(
        _tc_head,
        grid=grid,
        in_specs=[
            pl.BlockSpec((_TC_BLK, _EMBED), lambda i: (i, 0)),
            pl.BlockSpec((_TC_BLK, _SEQ), lambda i: (i, 0)),
            pl.BlockSpec((_EMBED, _NUM_CLASSES), lambda i: (0, 0)),
            pl.BlockSpec((1, _NUM_CLASSES), lambda i: (0, 0)),
        ],
        out_specs=pl.BlockSpec((_TC_BLK, _NUM_CLASSES), lambda i: (i, 0)),
        out_shape=jax.ShapeDtypeStruct((_BATCH, _NUM_CLASSES), jnp.float32),
    )(summed, x, W, b.reshape(1, _NUM_CLASSES))
    return out

# --- scband reference (transcript-rebuilt; emitter-appended) ---
"""Pipeline reference for scband-text-classifier-84576495993587 (READ-ONLY COPY).

The authoritative reference and input builder live on the scoring server;
editing this copy changes nothing except your own understanding.
"""

import jax, jax.numpy as jnp
import numpy as np

VOCAB = 1000000
EMBED = 32
NUM_CLASSES = 50
PAD_IDX = 0
BATCH = 4096
SEQ = 200

def setup_inputs(seed: int = 0) -> dict:
    key = jax.random.key(seed)
    k1, k2, k3, k4 = jax.random.split(key, 4)
    x = jax.random.randint(k1, (BATCH, SEQ), 0, VOCAB, dtype=jnp.int32)
    table = jax.random.normal(k2, (VOCAB, EMBED), dtype=jnp.float32) * 0.02
    table = table.at[PAD_IDX].set(0.0)  # padding_idx row is zero, like nn.Embedding(padding_idx=...)
    W = jax.random.normal(k3, (EMBED, NUM_CLASSES), dtype=jnp.float32) * 0.05
    b = jnp.zeros((NUM_CLASSES,), dtype=jnp.float32)
    return {"x": x, "table": table, "W": W, "b": b}

def reference(x, table, W, b):
    # embedded = self.embedding(x)
    embedded = jnp.take(table, x, axis=0)                      # [B, S, E] gather
    # mask = (x != self.pad_idx).unsqueeze(-1)
    mask = (x != PAD_IDX)[..., None].astype(embedded.dtype)    # [B, S, 1]
    # summed = (embedded * mask).sum(1)
    summed = (embedded * mask).sum(axis=1)                     # [B, E]
    # counts = mask.sum(1).clamp(min=1)
    counts = jnp.clip(mask.sum(axis=1), 1.0, None)             # [B, 1]
    avg = summed / counts                                      # [B, E]
    # return self.fc(avg)
    return avg @ W + b                                         # [B, C]

if __name__ == "__main__":
    import jax
    _d = setup_inputs()
    print(jax.jit(kernel)(*tuple(_d.values())))

</pallas_src>

<mosaic_0001>
#map = affine_map<(d0, d1) -> (0, 0)>
module attributes {stable_mosaic.version = 14 : i64} {
  func.func @sc_gather_sum(%arg0: i32, %arg1: i32, %arg2: memref<4096x200xi32, #tpu.memory_space<hbm>>, %arg3: memref<1007616x32xf32, #tpu.memory_space<hbm>>, %arg4: memref<4096x32xf32, #tpu.memory_space<hbm>>, %arg5: memref<128x200xi32, #tpu.memory_space<vmem>>, %arg6: memref<200x32xf32, #tpu.memory_space<vmem>>, %arg7: memref<200x32xf32, #tpu.memory_space<vmem>>, %arg8: memref<128x32xf32, #tpu.memory_space<vmem>>, %arg9: memref<!tpu.dma_semaphore, #tpu.memory_space<semaphore_mem>>, %arg10: memref<!tpu.dma_semaphore, #tpu.memory_space<semaphore_mem>>) attributes {dimension_semantics = [#tpu.dimension_semantics<core_parallel>, #tpu.dimension_semantics<subcore_parallel>], iteration_bounds = array<i64: 2, 16>, scalar_prefetch = 0 : i64, scratch_operands = 6 : i64, tpu.core_type = #tpu.core_type<sc_vector_subcore>, window_params = [{transform_indices = #map}, {transform_indices = #map}, {transform_indices = #map}]} {
    %mul3A = arith.constant 2 : i32
    %mul3A_0 = arith.muli %arg1, %mul3A : i32
    %add3A = arith.addi %mul3A_0, %arg0 : i32
    %mul3A_1 = arith.constant 128 : i32
    %mul3A_2 = arith.muli %add3A, %mul3A_1 : i32
    "tpu.region"() ({
      %run_scoped3A = tpu.sem_alloc : memref<!tpu.dma_semaphore, #tpu.memory_space<semaphore_mem>>
      %dma_start3A_33 = arith.constant 0 : i32
      %dma_start3A_34 = tpu.memref_slice %arg2[%mul3A_2, %dma_start3A_33] : memref<4096x200xi32, #tpu.memory_space<hbm>> -> memref<128x200xi32, #tpu.memory_space<hbm>>
      %dma_start3A_35 = arith.constant 0 : i32
      %dma_start3A_36 = tpu.memref_slice %arg2[%mul3A_2, %dma_start3A_35] : memref<4096x200xi32, #tpu.memory_space<hbm>> -> memref<128x200xi32, #tpu.memory_space<hbm>>
      tpu.enqueue_dma source(%dma_start3A_36 : memref<128x200xi32, #tpu.memory_space<hbm>>) target(%arg5 : memref<128x200xi32, #tpu.memory_space<vmem>>) target_semaphore(%run_scoped3A : memref<!tpu.dma_semaphore, #tpu.memory_space<semaphore_mem>>)
      %dma_wait3A = arith.constant 0 : i32
      %dma_wait3A_37 = tpu.memref_slice %arg2[%mul3A_2, %dma_wait3A] : memref<4096x200xi32, #tpu.memory_space<hbm>> -> memref<128x200xi32, #tpu.memory_space<hbm>>
      %dma_wait3A_38 = arith.constant 0 : i32
      %dma_wait3A_39 = tpu.memref_slice %arg2[%mul3A_2, %dma_wait3A_38] : memref<4096x200xi32, #tpu.memory_space<hbm>> -> memref<128x200xi32, #tpu.memory_space<hbm>>
      tpu.wait_dma2 semaphore(%run_scoped3A : memref<!tpu.dma_semaphore, #tpu.memory_space<semaphore_mem>>) src(%dma_wait3A_39 : memref<128x200xi32, #tpu.memory_space<hbm>>) dst(%arg5 : memref<128x200xi32, #tpu.memory_space<vmem>>)
      tpu.yield
    }) : () -> ()
    %scan3A = arith.constant 0 : i32
    %scan3A_3 = arith.constant 0 : i32
    %scan3A_4 = arith.constant 128 : i32
    %scan3A_5 = arith.addi %scan3A_3, %scan3A_4 : i32
    %scan3A_6 = arith.constant 1 : i32
    scf.for %scan3A_33 = %scan3A_3 to %scan3A_5 step %scan3A_6  : i32 {
      %get3A = arith.index_cast %scan3A_33 : i32 to index
      %get3A_34 = arith.constant 0 : index
      %get3A_35 = tpu.vector_load %arg5[%get3A, %get3A_34] {strides = array<i32>} : memref<128x200xi32, #tpu.memory_space<vmem>>, vector<1x16xi32>,
      %get3A_36 = vector.shape_cast %get3A_35 : vector<1x16xi32> to vector<16xi32>
      %and3A = arith.constant -8192 : i32
      %and3A_37 = vector.broadcast %and3A : i32 to vector<16xi32>
      %and3A_38 = arith.andi %get3A_36, %and3A_37 : vector<16xi32>
      %and3A_39 = arith.constant 2047 : i32
      %and3A_40 = vector.broadcast %and3A_39 : i32 to vector<16xi32>
      %and3A_41 = arith.andi %get3A_36, %and3A_40 : vector<16xi32>
      %shift_left3A = arith.constant 2 : i32
      %shift_left3A_42 = vector.broadcast %shift_left3A : i32 to vector<16xi32>
      %shift_left3A_43 = arith.shli %and3A_41, %shift_left3A_42 : vector<16xi32>
      %or3A = arith.ori %and3A_38, %shift_left3A_43 : vector<16xi32>
      %shift_right_arithmetic3A = arith.constant 11 : i32
      %shift_right_arithmetic3A_44 = vector.broadcast %shift_right_arithmetic3A : i32 to vector<16xi32>
      %shift_right_arithmetic3A_45 = arith.shrsi %get3A_36, %shift_right_arithmetic3A_44 : vector<16xi32>
      %and3A_46 = arith.constant 3 : i32
      %and3A_47 = vector.broadcast %and3A_46 : i32 to vector<16xi32>
      %and3A_48 = arith.andi %shift_right_arithmetic3A_45, %and3A_47 : vector<16xi32>
      %or3A_49 = arith.ori %or3A, %and3A_48 : vector<16xi32>
      %swap3A = arith.index_cast %scan3A_33 : i32 to index
      %swap3A_50 = arith.constant 0 : index
      %swap3A_51 = tpu.vector_load %arg5[%swap3A, %swap3A_50] {strides = array<i32>} : memref<128x200xi32, #tpu.memory_space<vmem>>, vector<1x16xi32>,
      %swap3A_52 = vector.shape_cast %swap3A_51 : vector<1x16xi32> to vector<16xi32>
      %swap3A_53 = vector.shape_cast %or3A_49 : vector<16xi32> to vector<1x16xi32>
      tpu.vector_store %arg5[%swap3A, %swap3A_50], %swap3A_53 {strides = array<i32>} : memref<128x200xi32, #tpu.memory_space<vmem>>, vector<1x16xi32>,
      %get3A_54 = arith.index_cast %scan3A_33 : i32 to index
      %get3A_55 = arith.constant 16 : index
      %get3A_56 = tpu.vector_load %arg5[%get3A_54, %get3A_55] {strides = array<i32>} : memref<128x200xi32, #tpu.memory_space<vmem>>, vector<1x16xi32>,
      %get3A_57 = vector.shape_cast %get3A_56 : vector<1x16xi32> to vector<16xi32>
      %and3A_58 = arith.constant -8192 : i32
      %and3A_59 = vector.broadcast %and3A_58 : i32 to vector<16xi32>
      %and3A_60 = arith.andi %get3A_57, %and3A_59 : vector<16xi32>
      %and3A_61 = arith.constant 2047 : i32
      %and3A_62 = vector.broadcast %and3A_61 : i32 to vector<16xi32>
      %and3A_63 = arith.andi %get3A_57, %and3A_62 : vector<16xi32>
      %shift_left3A_64 = arith.constant 2 : i32
      %shift_left3A_65 = vector.broadcast %shift_left3A_64 : i32 to vector<16xi32>
      %shift_left3A_66 = arith.shli %and3A_63, %shift_left3A_65 : vector<16xi32>
      %or3A_67 = arith.ori %and3A_60, %shift_left3A_66 : vector<16xi32>
      %shift_right_arithmetic3A_68 = arith.constant 11 : i32
      %shift_right_arithmetic3A_69 = vector.broadcast %shift_right_arithmetic3A_68 : i32 to vector<16xi32>
      %shift_right_arithmetic3A_70 = arith.shrsi %get3A_57, %shift_right_arithmetic3A_69 : vector<16xi32>
      %and3A_71 = arith.constant 3 : i32
      %and3A_72 = vector.broadcast %and3A_71 : i32 to vector<16xi32>
      %and3A_73 = arith.andi %shift_right_arithmetic3A_70, %and3A_72 : vector<16xi32>
      %or3A_74 = arith.ori %or3A_67, %and3A_73 : vector<16xi32>
      %swap3A_75 = arith.index_cast %scan3A_33 : i32 to index
      %swap3A_76 = arith.constant 16 : index
      %swap3A_77 = tpu.vector_load %arg5[%swap3A_75, %swap3A_76] {strides = array<i32>} : memref<128x200xi32, #tpu.memory_space<vmem>>, vector<1x16xi32>,
      %swap3A_78 = vector.shape_cast %swap3A_77 : vector<1x16xi32> to vector<16xi32>
      %swap3A_79 = vector.shape_cast %or3A_74 : vector<16xi32> to vector<1x16xi32>
      tpu.vector_store %arg5[%swap3A_75, %swap3A_76], %swap3A_79 {strides = array<i32>} : memref<128x200xi32, #tpu.memory_space<vmem>>, vector<1x16xi32>,
      %get3A_80 = arith.index_cast %scan3A_33 : i32 to index
      %get3A_81 = arith.constant 32 : index
      %get3A_82 = tpu.vector_load %arg5[%get3A_80, %get3A_81] {strides = array<i32>} : memref<128x200xi32, #tpu.memory_space<vmem>>, vector<1x16xi32>,
      %get3A_83 = vector.shape_cast %get3A_82 : vector<1x16xi32> to vector<16xi32>
      %and3A_84 = arith.constant -8192 : i32
      %and3A_85 = vector.broadcast %and3A_84 : i32 to vector<16xi32>
      %and3A_86 = arith.andi %get3A_83, %and3A_85 : vector<16xi32>
      %and3A_87 = arith.constant 2047 : i32
      %and3A_88 = vector.broadcast %and3A_87 : i32 to vector<16xi32>
      %and3A_89 = arith.andi %get3A_83, %and3A_88 : vector<16xi32>
      %shift_left3A_90 = arith.constant 2 : i32
      %shift_left3A_91 = vector.broadcast %shift_left3A_90 : i32 to vector<16xi32>
      %shift_left3A_92 = arith.shli %and3A_89, %shift_left3A_91 : vector<16xi32>
      %or3A_93 = arith.ori %and3A_86, %shift_left3A_92 : vector<16xi32>
      %shift_right_arithmetic3A_94 = arith.constant 11 : i32
      %shift_right_arithmetic3A_95 = vector.broadcast %shift_right_arithmetic3A_94 : i32 to vector<16xi32>
      %shift_right_arithmetic3A_96 = arith.shrsi %get3A_83, %shift_right_arithmetic3A_95 : vector<16xi32>
      %and3A_97 = arith.constant 3 : i32
      %and3A_98 = vector.broadcast %and3A_97 : i32 to vector<16xi32>
      %and3A_99 = arith.andi %shift_right_arithmetic3A_96, %and3A_98 : vector<16xi32>
      %or3A_100 = arith.ori %or3A_93, %and3A_99 : vector<16xi32>
      %swap3A_101 = arith.index_cast %scan3A_33 : i32 to index
      %swap3A_102 = arith.constant 32 : index
      %swap3A_103 = tpu.vector_load %arg5[%swap3A_101, %swap3A_102] {strides = array<i32>} : memref<128x200xi32, #tpu.memory_space<vmem>>, vector<1x16xi32>,
      %swap3A_104 = vector.shape_cast %swap3A_103 : vector<1x16xi32> to vector<16xi32>
      %swap3A_105 = vector.shape_cast %or3A_100 : vector<16xi32> to vector<1x16xi32>
      tpu.vector_store %arg5[%swap3A_101, %swap3A_102], %swap3A_105 {strides = array<i32>} : memref<128x200xi32, #tpu.memory_space<vmem>>, vector<1x16xi32>,
      %get3A_106 = arith.index_cast %scan3A_33 : i32 to index
      %get3A_107 = arith.constant 48 : index
      %get3A_108 = tpu.vector_load %arg5[%get3A_106, %get3A_107] {strides = array<i32>} : memref<128x200xi32, #tpu.memory_space<vmem>>, vector<1x16xi32>,
      %get3A_109 = vector.shape_cast %get3A_108 : vector<1x16xi32> to vector<16xi32>
      %and3A_110 = arith.constant -8192 : i32
      %and3A_111 = vector.broadcast %and3A_110 : i32 to vector<16xi32>
      %and3A_112 = arith.andi %get3A_109, %and3A_111 : vector<16xi32>
      %and3A_113 = arith.constant 2047 : i32
      %and3A_114 = vector.broadcast %and3A_113 : i32 to vector<16xi32>
      %and3A_115 = arith.andi %get3A_109, %and3A_114 : vector<16xi32>
      %shift_left3A_116 = arith.constant 2 : i32
      %shift_left3A_117 = vector.broadcast %shift_left3A_116 : i32 to vector<16xi32>
      %shift_left3A_118 = arith.shli %and3A_115, %shift_left3A_117 : vector<16xi32>
      %or3A_119 = arith.ori %and3A_112, %shift_left3A_118 : vector<16xi32>
      %shift_right_arithmetic3A_120 = arith.constant 11 : i32
      %shift_right_arithmetic3A_121 = vector.broadcast %shift_right_arithmetic3A_120 : i32 to vector<16xi32>
      %shift_right_arithmetic3A_122 = arith.shrsi %get3A_109, %shift_right_arithmetic3A_121 : vector<16xi32>
      %and3A_123 = arith.constant 3 : i32
      %and3A_124 = vector.broadcast %and3A_123 : i32 to vector<16xi32>
      %and3A_125 = arith.andi %shift_right_arithmetic3A_122, %and3A_124 : vector<16xi32>
      %or3A_126 = arith.ori %or3A_119, %and3A_125 : vector<16xi32>
      %swap3A_127 = arith.index_cast %scan3A_33 : i32 to index
      %swap3A_128 = arith.constant 48 : index
      %swap3A_129 = tpu.vector_load %arg5[%swap3A_127, %swap3A_128] {strides = array<i32>} : memref<128x200xi32, #tpu.memory_space<vmem>>, vector<1x16xi32>,
      %swap3A_130 = vector.shape_cast %swap3A_129 : vector<1x16xi32> to vector<16xi32>
      %swap3A_131 = vector.shape_cast %or3A_126 : vector<16xi32> to vector<1x16xi32>
      tpu.vector_store %arg5[%swap3A_127, %swap3A_128], %swap3A_131 {strides = array<i32>} : memref<128x200xi32, #tpu.memory_space<vmem>>, vector<1x16xi32>,
      %get3A_132 = arith.index_cast %scan3A_33 : i32 to index
      %get3A_133 = arith.constant 64 : index
      %get3A_134 = tpu.vector_load %arg5[%get3A_132, %get3A_133] {strides = array<i32>} : memref<128x200xi32, #tpu.memory_space<vmem>>, vector<1x16xi32>,
      %get3A_135 = vector.shape_cast %get3A_134 : vector<1x16xi32> to vector<16xi32>
      %and3A_136 = arith.constant -8192 : i32
      %and3A_137 = vector.broadcast %and3A_136 : i32 to vector<16xi32>
      %and3A_138 = arith.andi %get3A_135, %and3A_137 : vector<16xi32>
      %and3A_139 = arith.constant 2047 : i32
      %and3A_140 = vector.broadcast %and3A_139 : i32 to vector<16xi32>
      %and3A_141 = arith.andi %get3A_135, %and3A_140 : vector<16xi32>
      %shift_left3A_142 = arith.constant 2 : i32
      %shift_left3A_143 = vector.broadcast %shift_left3A_142 : i32 to vector<16xi32>
      %shift_left3A_144 = arith.shli %and3A_141, %shift_left3A_143 : vector<16xi32>
      %or3A_145 = arith.ori %and3A_138, %shift_left3A_144 : vector<16xi32>
      %shift_right_arithmetic3A_146 = arith.constant 11 : i32
      %shift_right_arithmetic3A_147 = vector.broadcast %shift_right_arithmetic3A_146 : i32 to vector<16xi32>
      %shift_right_arithmetic3A_148 = arith.shrsi %get3A_135, %shift_right_arithmetic3A_147 : vector<16xi32>
      %and3A_149 = arith.constant 3 : i32
      %and3A_150 = vector.broadcast %and3A_149 : i32 to vector<16xi32>
      %and3A_151 = arith.andi %shift_right_arithmetic3A_148, %and3A_150 : vector<16xi32>
      %or3A_152 = arith.ori %or3A_145, %and3A_151 : vector<16xi32>
      %swap3A_153 = arith.index_cast %scan3A_33 : i32 to index
      %swap3A_154 = arith.constant 64 : index
      %swap3A_155 = tpu.vector_load %arg5[%swap3A_153, %swap3A_154] {strides = array<i32>} : memref<128x200xi32, #tpu.memory_space<vmem>>, vector<1x16xi32>,
      %swap3A_156 = vector.shape_cast %swap3A_155 : vector<1x16xi32> to vector<16xi32>
      %swap3A_157 = vector.shape_cast %or3A_152 : vector<16xi32> to vector<1x16xi32>
      tpu.vector_store %arg5[%swap3A_153, %swap3A_154], %swap3A_157 {strides = array<i32>} : memref<128x200xi32, #tpu.memory_space<vmem>>, vector<1x16xi32>,
      %get3A_158 = arith.index_cast %scan3A_33 : i32 to index
      %get3A_159 = arith.constant 80 : index
      %get3A_160 = tpu.vector_load %arg5[%get3A_158, %get3A_159] {strides = array<i32>} : memref<128x200xi32, #tpu.memory_space<vmem>>, vector<1x16xi32>,
      %get3A_161 = vector.shape_cast %get3A_160 : vector<1x16xi32> to vector<16xi32>
      %and3A_162 = arith.constant -8192 : i32
      %and3A_163 = vector.broadcast %and3A_162 : i32 to vector<16xi32>
      %and3A_164 = arith.andi %get3A_161, %and3A_163 : vector<16xi32>
      %and3A_165 = arith.constant 2047 : i32
      %and3A_166 = vector.broadcast %and3A_165 : i32 to vector<16xi32>
      %and3A_167 = arith.andi %get3A_161, %and3A_166 : vector<16xi32>
      %shift_left3A_168 = arith.constant 2 : i32
      %shift_left3A_169 = vector.broadcast %shift_left3A_168 : i32 to vector<16xi32>
      %shift_left3A_170 = arith.shli %and3A_167, %shift_left3A_169 : vector<16xi32>
      %or3A_171 = arith.ori %and3A_164, %shift_left3A_170 : vector<16xi32>
      %shift_right_arithmetic3A_172 = arith.constant 11 : i32
      %shift_right_arithmetic3A_173 = vector.broadcast %shift_right_arithmetic3A_172 : i32 to vector<16xi32>
      %shift_right_arithmetic3A_174 = arith.shrsi %get3A_161, %shift_right_arithmetic3A_173 : vector<16xi32>
      %and3A_175 = arith.constant 3 : i32
      %and3A_176 = vector.broadcast %and3A_175 : i32 to vector<16xi32>
      %and3A_177 = arith.andi %shift_right_arithmetic3A_174, %and3A_176 : vector<16xi32>
      %or3A_178 = arith.ori %or3A_171, %and3A_177 : vector<16xi32>
      %swap3A_179 = arith.index_cast %scan3A_33 : i32 to index
      %swap3A_180 = arith.constant 80 : index
      %swap3A_181 = tpu.vector_load %arg5[%swap3A_179, %swap3A_180] {strides = array<i32>} : memref<128x200xi32, #tpu.memory_space<vmem>>, vector<1x16xi32>,
      %swap3A_182 = vector.shape_cast %swap3A_181 : vector<1x16xi32> to vector<16xi32>
      %swap3A_183 = vector.shape_cast %or3A_178 : vector<16xi32> to vector<1x16xi32>
      tpu.vector_store %arg5[%swap3A_179, %swap3A_180], %swap3A_183 {strides = array<i32>} : memref<128x200xi32, #tpu.memory_space<vmem>>, vector<1x16xi32>,
      %get3A_184 = arith.index_cast %scan3A_33 : i32 to index
      %get3A_185 = arith.constant 96 : index
      %get3A_186 = tpu.vector_load %arg5[%get3A_184, %get3A_185] {strides = array<i32>} : memref<128x200xi32, #tpu.memory_space<vmem>>, vector<1x16xi32>,
      %get3A_187 = vector.shape_cast %get3A_186 : vector<1x16xi32> to vector<16xi32>
      %and3A_188 = arith.constant -8192 : i32
      %and3A_189 = vector.broadcast %and3A_188 : i32 to vector<16xi32>
      %and3A_190 = arith.andi %get3A_187, %and3A_189 : vector<16xi32>
      %and3A_191 = arith.constant 2047 : i32
      %and3A_192 = vector.broadcast %and3A_191 : i32 to vector<16xi32>
      %and3A_193 = arith.andi %get3A_187, %and3A_192 : vector<16xi32>
      %shift_left3A_194 = arith.constant 2 : i32
      %shift_left3A_195 = vector.broadcast %shift_left3A_194 : i32 to vector<16xi32>
      %shift_left3A_196 = arith.shli %and3A_193, %shift_left3A_195 : vector<16xi32>
      %or3A_197 = arith.ori %and3A_190, %shift_left3A_196 : vector<16xi32>
      %shift_right_arithmetic3A_198 = arith.constant 11 : i32
      %shift_right_arithmetic3A_199 = vector.broadcast %shift_right_arithmetic3A_198 : i32 to vector<16xi32>
      %shift_right_arithmetic3A_200 = arith.shrsi %get3A_187, %shift_right_arithmetic3A_199 : vector<16xi32>
      %and3A_201 = arith.constant 3 : i32
      %and3A_202 = vector.broadcast %and3A_201 : i32 to vector<16xi32>
      %and3A_203 = arith.andi %shift_right_arithmetic3A_200, %and3A_202 : vector<16xi32>
      %or3A_204 = arith.ori %or3A_197, %and3A_203 : vector<16xi32>
      %swap3A_205 = arith.index_cast %scan3A_33 : i32 to index
      %swap3A_206 = arith.constant 96 : index
      %swap3A_207 = tpu.vector_load %arg5[%swap3A_205, %swap3A_206] {strides = array<i32>} : memref<128x200xi32, #tpu.memory_space<vmem>>, vector<1x16xi32>,
      %swap3A_208 = vector.shape_cast %swap3A_207 : vector<1x16xi32> to vector<16xi32>
      %swap3A_209 = vector.shape_cast %or3A_204 : vector<16xi32> to vector<1x16xi32>
      tpu.vector_store %arg5[%swap3A_205, %swap3A_206], %swap3A_209 {strides = array<i32>} : memref<128x200xi32, #tpu.memory_space<vmem>>, vector<1x16xi32>,
      %get3A_210 = arith.index_cast %scan3A_33 : i32 to index
      %get3A_211 = arith.constant 112 : index
      %get3A_212 = tpu.vector_load %arg5[%get3A_210, %get3A_211] {strides = array<i32>} : memref<128x200xi32, #tpu.memory_space<vmem>>, vector<1x16xi32>,
      %get3A_213 = vector.shape_cast %get3A_212 : vector<1x16xi32> to vector<16xi32>
      %and3A_214 = arith.constant -8192 : i32
      %and3A_215 = vector.broadcast %and3A_214 : i32 to vector<16xi32>
      %and3A_216 = arith.andi %get3A_213, %and3A_215 : vector<16xi32>
      %and3A_217 = arith.constant 2047 : i32
      %and3A_218 = vector.broadcast %and3A_217 : i32 to vector<16xi32>
      %and3A_219 = arith.andi %get3A_213, %and3A_218 : vector<16xi32>
      %shift_left3A_220 = arith.constant 2 : i32
      %shift_left3A_221 = vector.broadcast %shift_left3A_220 : i32 to vector<16xi32>
      %shift_left3A_222 = arith.shli %and3A_219, %shift_left3A_221 : vector<16xi32>
      %or3A_223 = arith.ori %and3A_216, %shift_left3A_222 : vector<16xi32>
      %shift_right_arithmetic3A_224 = arith.constant 11 : i32
      %shift_right_arithmetic3A_225 = vector.broadcast %shift_right_arithmetic3A_224 : i32 to vector<16xi32>
      %shift_right_arithmetic3A_226 = arith.shrsi %get3A_213, %shift_right_arithmetic3A_225 : vector<16xi32>
      %and3A_227 = arith.constant 3 : i32
      %and3A_228 = vector.broadcast %and3A_227 : i32 to vector<16xi32>
      %and3A_229 = arith.andi %shift_right_arithmetic3A_226, %and3A_228 : vector<16xi32>
      %or3A_230 = arith.ori %or3A_223, %and3A_229 : vector<16xi32>
      %swap3A_231 = arith.index_cast %scan3A_33 : i32 to index
      %swap3A_232 = arith.constant 112 : index
      %swap3A_233 = tpu.vector_load %arg5[%swap3A_231, %swap3A_232] {strides = array<i32>} : memref<128x200xi32, #tpu.memory_space<vmem>>, vector<1x16xi32>,
      %swap3A_234 = vector.shape_cast %swap3A_233 : vector<1x16xi32> to vector<16xi32>
      %swap3A_235 = vector.shape_cast %or3A_230 : vector<16xi32> to vector<1x16xi32>
      tpu.vector_store %arg5[%swap3A_231, %swap3A_232], %swap3A_235 {strides = array<i32>} : memref<128x200xi32, #tpu.memory_space<vmem>>, vector<1x16xi32>,
      %get3A_236 = arith.index_cast %scan3A_33 : i32 to index
      %get3A_237 = arith.constant 128 : index
      %get3A_238 = tpu.vector_load %arg5[%get3A_236, %get3A_237] {strides = array<i32>} : memref<128x200xi32, #tpu.memory_space<vmem>>, vector<1x16xi32>,
      %get3A_239 = vector.shape_cast %get3A_238 : vector<1x16xi32> to vector<16xi32>
      %and3A_240 = arith.constant -8192 : i32
      %and3A_241 = vector.broadcast %and3A_240 : i32 to vector<16xi32>
      %and3A_242 = arith.andi %get3A_239, %and3A_241 : vector<16xi32>
      %and3A_243 = arith.constant 2047 : i32
      %and3A_244 = vector.broadcast %and3A_243 : i32 to vector<16xi32>
      %and3A_245 = arith.andi %get3A_239, %and3A_244 : vector<16xi32>
      %shift_left3A_246 = arith.constant 2 : i32
      %shift_left3A_247 = vector.broadcast %shift_left3A_246 : i32 to vector<16xi32>
      %shift_left3A_248 = arith.shli %and3A_245, %shift_left3A_247 : vector<16xi32>
      %or3A_249 = arith.ori %and3A_242, %shift_left3A_248 : vector<16xi32>
      %shift_right_arithmetic3A_250 = arith.constant 11 : i32
      %shift_right_arithmetic3A_251 = vector.broadcast %shift_right_arithmetic3A_250 : i32 to vector<16xi32>
      %shift_right_arithmetic3A_252 = arith.shrsi %get3A_239, %shift_right_arithmetic3A_251 : vector<16xi32>
      %and3A_253 = arith.constant 3 : i32
      %and3A_254 = vector.broadcast %and3A_253 : i32 to vector<16xi32>
      %and3A_255 = arith.andi %shift_right_arithmetic3A_252, %and3A_254 : vector<16xi32>
      %or3A_256 = arith.ori %or3A_249, %and3A_255 : vector<16xi32>
      %swap3A_257 = arith.index_cast %scan3A_33 : i32 to index
      %swap3A_258 = arith.constant 128 : index
      %swap3A_259 = tpu.vector_load %arg5[%swap3A_257, %swap3A_258] {strides = array<i32>} : memref<128x200xi32, #tpu.memory_space<vmem>>, vector<1x16xi32>,
      %swap3A_260 = vector.shape_cast %swap3A_259 : vector<1x16xi32> to vector<16xi32>
      %swap3A_261 = vector.shape_cast %or3A_256 : vector<16xi32> to vector<1x16xi32>
      tpu.vector_store %arg5[%swap3A_257, %swap3A_258], %swap3A_261 {strides = array<i32>} : memref<128x200xi32, #tpu.memory_space<vmem>>, vector<1x16xi32>,
      %get3A_262 = arith.index_cast %scan3A_33 : i32 to index
      %get3A_263 = arith.constant 144 : index
      %get3A_264 = tpu.vector_load %arg5[%get3A_262, %get3A_263] {strides = array<i32>} : memref<128x200xi32, #tpu.memory_space<vmem>>, vector<1x16xi32>,
      %get3A_265 = vector.shape_cast %get3A_264 : vector<1x16xi32> to vector<16xi32>
      %and3A_266 = arith.constant -8192 : i32
      %and3A_267 = vector.broadcast %and3A_266 : i32 to vector<16xi32>
      %and3A_268 = arith.andi %get3A_265, %and3A_267 : vector<16xi32>
      %and3A_269 = arith.constant 2047 : i32
      %and3A_270 = vector.broadcast %and3A_269 : i32 to vector<16xi32>
      %and3A_271 = arith.andi %get3A_265, %and3A_270 : vector<16xi32>
      %shift_left3A_272 = arith.constant 2 : i32
      %shift_left3A_273 = vector.broadcast %shift_left3A_272 : i32 to vector<16xi32>
      %shift_left3A_274 = arith.shli %and3A_271, %shift_left3A_273 : vector<16xi32>
      %or3A_275 = arith.ori %and3A_268, %shift_left3A_274 : vector<16xi32>
      %shift_right_arithmetic3A_276 = arith.constant 11 : i32
      %shift_right_arithmetic3A_277 = vector.broadcast %shift_right_arithmetic3A_276 : i32 to vector<16xi32>
      %shift_right_arithmetic3A_278 = arith.shrsi %get3A_265, %shift_right_arithmetic3A_277 : vector<16xi32>
      %and3A_279 = arith.constant 3 : i32
      %and3A_280 = vector.broadcast %and3A_279 : i32 to vector<16xi32>
      %and3A_281 = arith.andi %shift_right_arithmetic3A_278, %and3A_280 : vector<16xi32>
      %or3A_282 = arith.ori %or3A_275, %and3A_281 : vector<16xi32>
      %swap3A_283 = arith.index_cast %scan3A_33 : i32 to index
      %swap3A_284 = arith.constant 144 : index
      %swap3A_285 = tpu.vector_load %arg5[%swap3A_283, %swap3A_284] {strides = array<i32>} : memref<128x200xi32, #tpu.memory_space<vmem>>, vector<1x16xi32>,
      %swap3A_286 = vector.shape_cast %swap3A_285 : vector<1x16xi32> to vector<16xi32>
      %swap3A_287 = vector.shape_cast %or3A_282 : vector<16xi32> to vector<1x16xi32>
      tpu.vector_store %arg5[%swap3A_283, %swap3A_284], %swap3A_287 {strides = array<i32>} : memref<128x200xi32, #tpu.memory_space<vmem>>, vector<1x16xi32>,
      %get3A_288 = arith.index_cast %scan3A_33 : i32 to index
      %get3A_289 = arith.constant 160 : index
      %get3A_290 = tpu.vector_load %arg5[%get3A_288, %get3A_289] {strides = array<i32>} : memref<128x200xi32, #tpu.memory_space<vmem>>, vector<1x16xi32>,
      %get3A_291 = vector.shape_cast %get3A_290 : vector<1x16xi32> to vector<16xi32>
      %and3A_292 = arith.constant -8192 : i32
      %and3A_293 = vector.broadcast %and3A_292 : i32 to vector<16xi32>
      %and3A_294 = arith.andi %get3A_291, %and3A_293 : vector<16xi32>
      %and3A_295 = arith.constant 2047 : i32
      %and3A_296 = vector.broadcast %and3A_295 : i32 to vector<16xi32>
      %and3A_297 = arith.andi %get3A_291, %and3A_296 : vector<16xi32>
      %shift_left3A_298 = arith.constant 2 : i32
      %shift_left3A_299 = vector.broadcast %shift_left3A_298 : i32 to vector<16xi32>
      %shift_left3A_300 = arith.shli %and3A_297, %shift_left3A_299 : vector<16xi32>
      %or3A_301 = arith.ori %and3A_294, %shift_left3A_300 : vector<16xi32>
      %shift_right_arithmetic3A_302 = arith.constant 11 : i32
      %shift_right_arithmetic3A_303 = vector.broadcast %shift_right_arithmetic3A_302 : i32 to vector<16xi32>
      %shift_right_arithmetic3A_304 = arith.shrsi %get3A_291, %shift_right_arithmetic3A_303 : vector<16xi32>
      %and3A_305 = arith.constant 3 : i32
      %and3A_306 = vector.broadcast %and3A_305 : i32 to vector<16xi32>
      %and3A_307 = arith.andi %shift_right_arithmetic3A_304, %and3A_306 : vector<16xi32>
      %or3A_308 = arith.ori %or3A_301, %and3A_307 : vector<16xi32>
      %swap3A_309 = arith.index_cast %scan3A_33 : i32 to index
      %swap3A_310 = arith.constant 160 : index
      %swap3A_311 = tpu.vector_load %arg5[%swap3A_309, %swap3A_310] {strides = array<i32>} : memref<128x200xi32, #tpu.memory_space<vmem>>, vector<1x16xi32>,
      %swap3A_312 = vector.shape_cast %swap3A_311 : vector<1x16xi32> to vector<16xi32>
      %swap3A_313 = vector.shape_cast %or3A_308 : vector<16xi32> to vector<1x16xi32>
      tpu.vector_store %arg5[%swap3A_309, %swap3A_310], %swap3A_313 {strides = array<i32>} : memref<128x200xi32, #tpu.memory_space<vmem>>, vector<1x16xi32>,
      %get3A_314 = arith.index_cast %scan3A_33 : i32 to index
      %get3A_315 = arith.constant 176 : index
      %get3A_316 = tpu.vector_load %arg5[%get3A_314, %get3A_315] {strides = array<i32>} : memref<128x200xi32, #tpu.memory_space<vmem>>, vector<1x16xi32>,
      %get3A_317 = vector.shape_cast %get3A_316 : vector<1x16xi32> to vector<16xi32>
      %and3A_318 = arith.constant -8192 : i32
      %and3A_319 = vector.broadcast %and3A_318 : i32 to vector<16xi32>
      %and3A_320 = arith.andi %get3A_317, %and3A_319 : vector<16xi32>
      %and3A_321 = arith.constant 2047 : i32
      %and3A_322 = vector.broadcast %and3A_321 : i32 to vector<16xi32>
      %and3A_323 = arith.andi %get3A_317, %and3A_322 : vector<16xi32>
      %shift_left3A_324 = arith.constant 2 : i32
      %shift_left3A_325 = vector.broadcast %shift_left3A_324 : i32 to vector<16xi32>
      %shift_left3A_326 = arith.shli %and3A_323, %shift_left3A_325 : vector<16xi32>
      %or3A_327 = arith.ori %and3A_320, %shift_left3A_326 : vector<16xi32>
      %shift_right_arithmetic3A_328 = arith.constant 11 : i32
      %shift_right_arithmetic3A_329 = vector.broadcast %shift_right_arithmetic3A_328 : i32 to vector<16xi32>
      %shift_right_arithmetic3A_330 = arith.shrsi %get3A_317, %shift_right_arithmetic3A_329 : vector<16xi32>
      %and3A_331 = arith.constant 3 : i32
      %and3A_332 = vector.broadcast %and3A_331 : i32 to vector<16xi32>
      %and3A_333 = arith.andi %shift_right_arithmetic3A_330, %and3A_332 : vector<16xi32>
      %or3A_334 = arith.ori %or3A_327, %and3A_333 : vector<16xi32>
      %swap3A_335 = arith.index_cast %scan3A_33 : i32 to index
      %swap3A_336 = arith.constant 176 : index
      %swap3A_337 = tpu.vector_load %arg5[%swap3A_335, %swap3A_336] {strides = array<i32>} : memref<128x200xi32, #tpu.memory_space<vmem>>, vector<1x16xi32>,
      %swap3A_338 = vector.shape_cast %swap3A_337 : vector<1x16xi32> to vector<16xi32>
      %swap3A_339 = vector.shape_cast %or3A_334 : vector<16xi32> to vector<1x16xi32>
      tpu.vector_store %arg5[%swap3A_335, %swap3A_336], %swap3A_339 {strides = array<i32>} : memref<128x200xi32, #tpu.memory_space<vmem>>, vector<1x16xi32>,
      %get3A_340 = arith.index_cast %scan3A_33 : i32 to index
      %get3A_341 = arith.constant 184 : index
      %get3A_342 = tpu.vector_load %arg5[%get3A_340, %get3A_341] {strides = array<i32>} : memref<128x200xi32, #tpu.memory_space<vmem>>, vector<1x16xi32>,
      %get3A_343 = vector.shape_cast %get3A_342 : vector<1x16xi32> to vector<16xi32>
      %and3A_344 = arith.constant -8192 : i32
      %and3A_345 = vector.broadcast %and3A_344 : i32 to vector<16xi32>
      %and3A_346 = arith.andi %get3A_343, %and3A_345 : vector<16xi32>
      %and3A_347 = arith.constant 2047 : i32
      %and3A_348 = vector.broadcast %and3A_347 : i32 to vector<16xi32>
      %and3A_349 = arith.andi %get3A_343, %and3A_348 : vector<16xi32>
      %shift_left3A_350 = arith.constant 2 : i32
      %shift_left3A_351 = vector.broadcast %shift_left3A_350 : i32 to vector<16xi32>
      %shift_left3A_352 = arith.shli %and3A_349, %shift_left3A_351 : vector<16xi32>
      %or3A_353 = arith.ori %and3A_346, %shift_left3A_352 : vector<16xi32>
      %shift_right_arithmetic3A_354 = arith.constant 11 : i32
      %shift_right_arithmetic3A_355 = vector.broadcast %shift_right_arithmetic3A_354 : i32 to vector<16xi32>
      %shift_right_arithmetic3A_356 = arith.shrsi %get3A_343, %shift_right_arithmetic3A_355 : vector<16xi32>
      %and3A_357 = arith.constant 3 : i32
      %and3A_358 = vector.broadcast %and3A_357 : i32 to vector<16xi32>
      %and3A_359 = arith.andi %shift_right_arithmetic3A_356, %and3A_358 : vector<16xi32>
      %or3A_360 = arith.ori %or3A_353, %and3A_359 : vector<16xi32>
      %iota3A = tpu.iota {dimensions = array<i32: 0>} : vector<16xi32>
      %lt3A = arith.constant 8 : i32
      %lt3A_361 = vector.broadcast %lt3A : i32 to vector<16xi32>
      %lt3A_362 = arith.cmpi slt, %iota3A, %lt3A_361 : vector<16xi32>
      %select_n3A = arith.select %lt3A_362, %get3A_343, %or3A_360 : vector<16xi1>, vector<16xi32>
      %swap3A_363 = arith.index_cast %scan3A_33 : i32 to index
      %swap3A_364 = arith.constant 184 : index
      %swap3A_365 = tpu.vector_load %arg5[%swap3A_363, %swap3A_364] {strides = array<i32>} : memref<128x200xi32, #tpu.memory_space<vmem>>, vector<1x16xi32>,
      %swap3A_366 = vector.shape_cast %swap3A_365 : vector<1x16xi32> to vector<16xi32>
      %swap3A_367 = vector.shape_cast %select_n3A : vector<16xi32> to vector<1x16xi32>
      tpu.vector_store %arg5[%swap3A_363, %swap3A_364], %swap3A_367 {strides = array<i32>} : memref<128x200xi32, #tpu.memory_space<vmem>>, vector<1x16xi32>,
    }
    %scan3A_7 = arith.constant 128 : i32
    %dma_start3A = arith.constant 0 : i32
    %dma_start3A_8 = arith.constant 0 : i32
    %dma_start3A_9 = arith.constant 0 : i32
    %dma_start3A_10 = tpu.memref_slice %arg6[%dma_start3A_8, %dma_start3A_9] : memref<200x32xf32, #tpu.memory_space<vmem>> -> memref<120x32xf32, #tpu.memory_space<vmem>>
    %dma_start3A_11 = arith.constant 0 : i32
    %dma_start3A_12 = tpu.memref_slice %arg5[%dma_start3A, %dma_start3A_11] : memref<128x200xi32, #tpu.memory_space<vmem>> -> memref<1x120xi32, #tpu.memory_space<vmem>>
    %dma_start3A_13 = tpu.memref_squeeze %dma_start3A_12 : memref<1x120xi32, #tpu.memory_space<vmem>> -> memref<120xi32, #tpu.memory_space<vmem>>
    %dma_start3A_14 = arith.constant 0 : i32
    %dma_start3A_15 = arith.constant 0 : i32
    %dma_start3A_16 = tpu.memref_slice %arg3[%dma_start3A_14, %dma_start3A_15] : memref<1007616x32xf32, #tpu.memory_space<hbm>> -> memref<1007616x32xf32, #tpu.memory_space<hbm>>
    tpu.enqueue_indirect_dma source(%dma_start3A_16 : memref<1007616x32xf32, #tpu.memory_space<hbm>>) target(%dma_start3A_10 : memref<120x32xf32, #tpu.memory_space<vmem>>) offsets(%dma_start3A_13 : memref<120xi32, #tpu.memory_space<vmem>>) semaphore(%arg9 : memref<!tpu.dma_semaphore, #tpu.memory_space<semaphore_mem>>)
    %dma_start3A_17 = arith.constant 0 : i32
    %dma_start3A_18 = arith.constant 120 : i32
    %dma_start3A_19 = arith.constant 0 : i32
    %dma_start3A_20 = tpu.memref_slice %arg6[%dma_start3A_18, %dma_start3A_19] : memref<200x32xf32, #tpu.memory_space<vmem>> -> memref<80x32xf32, #tpu.memory_space<vmem>>
    %dma_start3A_21 = arith.constant 120 : i32
    %dma_start3A_22 = tpu.memref_slice %arg5[%dma_start3A_17, %dma_start3A_21] : memref<128x200xi32, #tpu.memory_space<vmem>> -> memref<1x80xi32, #tpu.memory_space<vmem>>
    %dma_start3A_23 = tpu.memref_squeeze %dma_start3A_22 : memref<1x80xi32, #tpu.memory_space<vmem>> -> memref<80xi32, #tpu.memory_space<vmem>>
    %dma_start3A_24 = arith.constant 0 : i32
    %dma_start3A_25 = arith.constant 0 : i32
    %dma_start3A_26 = tpu.memref_slice %arg3[%dma_start3A_24, %dma_start3A_25] : memref<1007616x32xf32, #tpu.memory_space<hbm>> -> memref<1007616x32xf32, #tpu.memory_space<hbm>>
    tpu.enqueue_indirect_dma source(%dma_start3A_26 : memref<1007616x32xf32, #tpu.memory_space<hbm>>) target(%dma_start3A_20 : memref<80x32xf32, #tpu.memory_space<vmem>>) offsets(%dma_start3A_23 : memref<80xi32, #tpu.memory_space<vmem>>) semaphore(%arg9 : memref<!tpu.dma_semaphore, #tpu.memory_space<semaphore_mem>>)
    %scan3A_27 = arith.constant 0 : i32
    %scan3A_28 = arith.constant 0 : i32
    %scan3A_29 = arith.constant 64 : i32
    %scan3A_30 = arith.addi %scan3A_28, %scan3A_29 : i32
    %scan3A_31 = arith.constant 1 : i32
    scf.for %scan3A_33 = %scan3A_28 to %scan3A_30 step %scan3A_31  : i32 {
      %mul3A_34 = arith.constant 2 : i32
      %mul3A_35 = arith.muli %scan3A_33, %mul3A_34 : i32
      %add3A_36 = arith.constant 0 : i32
      %add3A_37 = arith.addi %mul3A_35, %add3A_36 : i32
      %add3A_38 = arith.constant 1 : i32
      %add3A_39 = arith.addi %add3A_37, %add3A_38 : i32
      %lt3A = arith.constant 128 : i32
      %lt3A_40 = arith.cmpi slt, %add3A_39, %lt3A : i32
      %convert_element_type3A = arith.extui %lt3A_40 : i1 to i32
      %cond3A = arith.constant 0 : i32
      %cond3A_41 = arith.cmpi ne, %convert_element_type3A, %cond3A : i32
      scf.if %cond3A_41 {
        %dma_start3A_122 = arith.constant 0 : i32
        %dma_start3A_123 = arith.constant 0 : i32
        %dma_start3A_124 = tpu.memref_slice %arg7[%dma_start3A_122, %dma_start3A_123] : memref<200x32xf32, #tpu.memory_space<vmem>> -> memref<120x32xf32, #tpu.memory_space<vmem>>
        %dma_start3A_125 = arith.constant 0 : i32
        %dma_start3A_126 = tpu.memref_slice %arg5[%add3A_39, %dma_start3A_125] : memref<128x200xi32, #tpu.memory_space<vmem>> -> memref<1x120xi32, #tpu.memory_space<vmem>>
        %dma_start3A_127 = tpu.memref_squeeze %dma_start3A_126 : memref<1x120xi32, #tpu.memory_space<vmem>> -> memref<120xi32, #tpu.memory_space<vmem>>
        %dma_start3A_128 = arith.constant 0 : i32
        %dma_start3A_129 = arith.constant 0 : i32
        %dma_start3A_130 = tpu.memref_slice %arg3[%dma_start3A_128, %dma_start3A_129] : memref<1007616x32xf32, #tpu.memory_space<hbm>> -> memref<1007616x32xf32, #tpu.memory_space<hbm>>
        tpu.enqueue_indirect_dma source(%dma_start3A_130 : memref<1007616x32xf32, #tpu.memory_space<hbm>>) target(%dma_start3A_124 : memref<120x32xf32, #tpu.memory_space<vmem>>) offsets(%dma_start3A_127 : memref<120xi32, #tpu.memory_space<vmem>>) semaphore(%arg10 : memref<!tpu.dma_semaphore, #tpu.memory_space<semaphore_mem>>)
        %dma_start3A_131 = arith.constant 120 : i32
        %dma_start3A_132 = arith.constant 0 : i32
        %dma_start3A_133 = tpu.memref_slice %arg7[%dma_start3A_131, %dma_start3A_132] : memref<200x32xf32, #tpu.memory_space<vmem>> -> memref<80x32xf32, #tpu.memory_space<vmem>>
        %dma_start3A_134 = arith.constant 120 : i32
        %dma_start3A_135 = tpu.memref_slice %arg5[%add3A_39, %dma_start3A_134] : memref<128x200xi32, #tpu.memory_space<vmem>> -> memref<1x80xi32, #tpu.memory_space<vmem>>
        %dma_start3A_136 = tpu.memref_squeeze %dma_start3A_135 : memref<1x80xi32, #tpu.memory_space<vmem>> -> memref<80xi32, #tpu.memory_space<vmem>>
        %dma_start3A_137 = arith.constant 0 : i32
        %dma_start3A_138 = arith.constant 0 : i32
        %dma_start3A_139 = tpu.memref_slice %arg3[%dma_start3A_137, %dma_start3A_138] : memref<1007616x32xf32, #tpu.memory_space<hbm>> -> memref<1007616x32xf32, #tpu.memory_space<hbm>>
        tpu.enqueue_indirect_dma source(%dma_start3A_139 : memref<1007616x32xf32, #tpu.memory_space<hbm>>) target(%dma_start3A_133 : memref<80x32xf32, #tpu.memory_space<vmem>>) offsets(%dma_start3A_136 : memref<80xi32, #tpu.memory_space<vmem>>) semaphore(%arg10 : memref<!tpu.dma_semaphore, #tpu.memory_space<semaphore_mem>>)
      } else {
      }
      %dma_wait3A = arith.constant 0 : i32
      %dma_wait3A_42 = arith.constant 0 : i32
      %dma_wait3A_43 = tpu.memref_slice %arg6[%dma_wait3A, %dma_wait3A_42] : memref<200x32xf32, #tpu.memory_space<vmem>> -> memref<120x32xf32, #tpu.memory_space<vmem>>
      %dma_wait3A_44 = arith.constant 0 : i32
      %dma_wait3A_45 = tpu.memref_slice %arg5[%add3A_37, %dma_wait3A_44] : memref<128x200xi32, #tpu.memory_space<vmem>> -> memref<1x120xi32, #tpu.memory_space<vmem>>
      %dma_wait3A_46 = tpu.memref_squeeze %dma_wait3A_45 : memref<1x120xi32, #tpu.memory_space<vmem>> -> memref<120xi32, #tpu.memory_space<vmem>>
      %dma_wait3A_47 = arith.constant 0 : i32
      %dma_wait3A_48 = arith.constant 0 : i32
      %dma_wait3A_49 = tpu.memref_slice %arg3[%dma_wait3A_47, %dma_wait3A_48] : memref<1007616x32xf32, #tpu.memory_space<hbm>> -> memref<1007616x32xf32, #tpu.memory_space<hbm>>
      tpu.wait_indirect_dma semaphore(%arg9 : memref<!tpu.dma_semaphore, #tpu.memory_space<semaphore_mem>>) src(%dma_wait3A_49 : memref<1007616x32xf32, #tpu.memory_space<hbm>>) dst(%dma_wait3A_43 : memref<120x32xf32, #tpu.memory_space<vmem>>)
      %dma_wait3A_50 = arith.constant 120 : i32
      %dma_wait3A_51 = arith.constant 0 : i32
      %dma_wait3A_52 = tpu.memref_slice %arg6[%dma_wait3A_50, %dma_wait3A_51] : memref<200x32xf32, #tpu.memory_space<vmem>> -> memref<80x32xf32, #tpu.memory_space<vmem>>
      %dma_wait3A_53 = arith.constant 120 : i32
      %dma_wait3A_54 = tpu.memref_slice %arg5[%add3A_37, %dma_wait3A_53] : memref<128x200xi32, #tpu.memory_space<vmem>> -> memref<1x80xi32, #tpu.memory_space<vmem>>
      %dma_wait3A_55 = tpu.memref_squeeze %dma_wait3A_54 : memref<1x80xi32, #tpu.memory_space<vmem>> -> memref<80xi32, #tpu.memory_space<vmem>>
      %dma_wait3A_56 = arith.constant 0 : i32
      %dma_wait3A_57 = arith.constant 0 : i32
      %dma_wait3A_58 = tpu.memref_slice %arg3[%dma_wait3A_56, %dma_wait3A_57] : memref<1007616x32xf32, #tpu.memory_space<hbm>> -> memref<1007616x32xf32, #tpu.memory_space<hbm>>
      tpu.wait_indirect_dma semaphore(%arg9 : memref<!tpu.dma_semaphore, #tpu.memory_space<semaphore_mem>>) src(%dma_wait3A_58 : memref<1007616x32xf32, #tpu.memory_space<hbm>>) dst(%dma_wait3A_52 : memref<80x32xf32, #tpu.memory_space<vmem>>)
      %broadcast_in_dim3A = arith.constant 0.000000e+00 : f32
      %broadcast_in_dim3A_59 = vector.broadcast %broadcast_in_dim3A : f32 to vector<16xf32>
      %scan3A_60 = arith.constant 0 : i32
      %scan3A_61 = arith.constant 25 : i32
      %scan3A_62 = arith.addi %scan3A_60, %scan3A_61 : i32
      %scan3A_63 = arith.constant 1 : i32
      %scan3A_64:2 = scf.for %scan3A_122 = %scan3A_60 to %scan3A_62 step %scan3A_63 iter_args(%scan3A_123 = %broadcast_in_dim3A_59, %scan3A_124 = %broadcast_in_dim3A_59) -> (vector<16xf32>, vector<16xf32>)  : i32 {
        %mul3A_125 = arith.constant 8 : i32
        %mul3A_126 = arith.muli %scan3A_122, %mul3A_125 : i32
        %add3A_127 = arith.constant 0 : i32
        %add3A_128 = arith.addi %mul3A_126, %add3A_127 : i32
        %get3A = arith.index_cast %add3A_128 : i32 to index
        %get3A_129 = arith.constant 0 : index
        %get3A_130 = tpu.vector_load %arg6[%get3A, %get3A_129] {strides = array<i32>} : memref<200x32xf32, #tpu.memory_space<vmem>>, vector<1x16xf32>,
        %get3A_131 = vector.shape_cast %get3A_130 : vector<1x16xf32> to vector<16xf32>
        %add3A_132 = arith.addf %scan3A_123, %get3A_131 : vector<16xf32>
        %get3A_133 = arith.index_cast %add3A_128 : i32 to index
        %get3A_134 = arith.constant 16 : index
        %get3A_135 = tpu.vector_load %arg6[%get3A_133, %get3A_134] {strides = array<i32>} : memref<200x32xf32, #tpu.memory_space<vmem>>, vector<1x16xf32>,
        %get3A_136 = vector.shape_cast %get3A_135 : vector<1x16xf32> to vector<16xf32>
        %add3A_137 = arith.addf %scan3A_124, %get3A_136 : vector<16xf32>
        %mul3A_138 = arith.constant 8 : i32
        %mul3A_139 = arith.muli %scan3A_122, %mul3A_138 : i32
        %add3A_140 = arith.constant 1 : i32
        %add3A_141 = arith.addi %mul3A_139, %add3A_140 : i32
        %get3A_142 = arith.index_cast %add3A_141 : i32 to index
        %get3A_143 = arith.constant 0 : index
        %get3A_144 = tpu.vector_load %arg6[%get3A_142, %get3A_143] {strides = array<i32>} : memref<200x32xf32, #tpu.memory_space<vmem>>, vector<1x16xf32>,
        %get3A_145 = vector.shape_cast %get3A_144 : vector<1x16xf32> to vector<16xf32>
        %add3A_146 = arith.addf %add3A_132, %get3A_145 : vector<16xf32>
        %get3A_147 = arith.index_cast %add3A_141 : i32 to index
        %get3A_148 = arith.constant 16 : index
        %get3A_149 = tpu.vector_load %arg6[%get3A_147, %get3A_148] {strides = array<i32>} : memref<200x32xf32, #tpu.memory_space<vmem>>, vector<1x16xf32>,
        %get3A_150 = vector.shape_cast %get3A_149 : vector<1x16xf32> to vector<16xf32>
        %add3A_151 = arith.addf %add3A_137, %get3A_150 : vector<16xf32>
        %mul3A_152 = arith.constant 8 : i32
        %mul3A_153 = arith.muli %scan3A_122, %mul3A_152 : i32
        %add3A_154 = arith.constant 2 : i32
        %add3A_155 = arith.addi %mul3A_153, %add3A_154 : i32
        %get3A_156 = arith.index_cast %add3A_155 : i32 to index
        %get3A_157 = arith.constant 0 : index
        %get3A_158 = tpu.vector_load %arg6[%get3A_156, %get3A_157] {strides = array<i32>} : memref<200x32xf32, #tpu.memory_space<vmem>>, vector<1x16xf32>,
        %get3A_159 = vector.shape_cast %get3A_158 : vector<1x16xf32> to vector<16xf32>
        %add3A_160 = arith.addf %add3A_146, %get3A_159 : vector<16xf32>
        %get3A_161 = arith.index_cast %add3A_155 : i32 to index
        %get3A_162 = arith.constant 16 : index
        %get3A_163 = tpu.vector_load %arg6[%get3A_161, %get3A_162] {strides = array<i32>} : memref<200x32xf32, #tpu.memory_space<vmem>>, vector<1x16xf32>,
        %get3A_164 = vector.shape_cast %get3A_163 : vector<1x16xf32> to vector<16xf32>
        %add3A_165 = arith.addf %add3A_151, %get3A_164 : vector<16xf32>
        %mul3A_166 = arith.constant 8 : i32
        %mul3A_167 = arith.muli %scan3A_122, %mul3A_166 : i32
        %add3A_168 = arith.constant 3 : i32
        %add3A_169 = arith.addi %mul3A_167, %add3A_168 : i32
        %get3A_170 = arith.index_cast %add3A_169 : i32 to index
        %get3A_171 = arith.constant 0 : index
        %get3A_172 = tpu.vector_load %arg6[%get3A_170, %get3A_171] {strides = array<i32>} : memref<200x32xf32, #tpu.memory_space<vmem>>, vector<1x16xf32>,
        %get3A_173 = vector.shape_cast %get3A_172 : vector<1x16xf32> to vector<16xf32>
        %add3A_174 = arith.addf %add3A_160, %get3A_173 : vector<16xf32>
        %get3A_175 = arith.index_cast %add3A_169 : i32 to index
        %get3A_176 = arith.constant 16 : index
        %get3A_177 = tpu.vector_load %arg6[%get3A_175, %get3A_176] {strides = array<i32>} : memref<200x32xf32, #tpu.memory_space<vmem>>, vector<1x16xf32>,
        %get3A_178 = vector.shape_cast %get3A_177 : vector<1x16xf32> to vector<16xf32>
        %add3A_179 = arith.addf %add3A_165, %get3A_178 : vector<16xf32>
        %mul3A_180 = arith.constant 8 : i32
        %mul3A_181 = arith.muli %scan3A_122, %mul3A_180 : i32
        %add3A_182 = arith.constant 4 : i32
        %add3A_183 = arith.addi %mul3A_181, %add3A_182 : i32
        %get3A_184 = arith.index_cast %add3A_183 : i32 to index
        %get3A_185 = arith.constant 0 : index
        %get3A_186 = tpu.vector_load %arg6[%get3A_184, %get3A_185] {strides = array<i32>} : memref<200x32xf32, #tpu.memory_space<vmem>>, vector<1x16xf32>,
        %get3A_187 = vector.shape_cast %get3A_186 : vector<1x16xf32> to vector<16xf32>
        %add3A_188 = arith.addf %add3A_174, %get3A_187 : vector<16xf32>
        %get3A_189 = arith.index_cast %add3A_183 : i32 to index
        %get3A_190 = arith.constant 16 : index
        %get3A_191 = tpu.vector_load %arg6[%get3A_189, %get3A_190] {strides = array<i32>} : memref<200x32xf32, #tpu.memory_space<vmem>>, vector<1x16xf32>,
        %get3A_192 = vector.shape_cast %get3A_191 : vector<1x16xf32> to vector<16xf32>
        %add3A_193 = arith.addf %add3A_179, %get3A_192 : vector<16xf32>
        %mul3A_194 = arith.constant 8 : i32
        %mul3A_195 = arith.muli %scan3A_122, %mul3A_194 : i32
        %add3A_196 = arith.constant 5 : i32
        %add3A_197 = arith.addi %mul3A_195, %add3A_196 : i32
        %get3A_198 = arith.index_cast %add3A_197 : i32 to index
        %get3A_199 = arith.constant 0 : index
        %get3A_200 = tpu.vector_load %arg6[%get3A_198, %get3A_199] {strides = array<i32>} : memref<200x32xf32, #tpu.memory_space<vmem>>, vector<1x16xf32>,
        %get3A_201 = vector.shape_cast %get3A_200 : vector<1x16xf32> to vector<16xf32>
        %add3A_202 = arith.addf %add3A_188, %get3A_201 : vector<16xf32>
        %get3A_203 = arith.index_cast %add3A_197 : i32 to index
        %get3A_204 = arith.constant 16 : index
        %get3A_205 = tpu.vector_load %arg6[%get3A_203, %get3A_204] {strides = array<i32>} : memref<200x32xf32, #tpu.memory_space<vmem>>, vector<1x16xf32>,
        %get3A_206 = vector.shape_cast %get3A_205 : vector<1x16xf32> to vector<16xf32>
        %add3A_207 = arith.addf %add3A_193, %get3A_206 : vector<16xf32>
        %mul3A_208 = arith.constant 8 : i32
        %mul3A_209 = arith.muli %scan3A_122, %mul3A_208 : i32
        %add3A_210 = arith.constant 6 : i32
        %add3A_211 = arith.addi %mul3A_209, %add3A_210 : i32
        %get3A_212 = arith.index_cast %add3A_211 : i32 to index
        %get3A_213 = arith.constant 0 : index
        %get3A_214 = tpu.vector_load %arg6[%get3A_212, %get3A_213] {strides = array<i32>} : memref<200x32xf32, #tpu.memory_space<vmem>>, vector<1x16xf32>,
        %get3A_215 = vector.shape_cast %get3A_214 : vector<1x16xf32> to vector<16xf32>
        %add3A_216 = arith.addf %add3A_202, %get3A_215 : vector<16xf32>
        %get3A_217 = arith.index_cast %add3A_211 : i32 to index
        %get3A_218 = arith.constant 16 : index
        %get3A_219 = tpu.vector_load %arg6[%get3A_217, %get3A_218] {strides = array<i32>} : memref<200x32xf32, #tpu.memory_space<vmem>>, vector<1x16xf32>,
        %get3A_220 = vector.shape_cast %get3A_219 : vector<1x16xf32> to vector<16xf32>
        %add3A_221 = arith.addf %add3A_207, %get3A_220 : vector<16xf32>
        %mul3A_222 = arith.constant 8 : i32
        %mul3A_223 = arith.muli %scan3A_122, %mul3A_222 : i32
        %add3A_224 = arith.constant 7 : i32
        %add3A_225 = arith.addi %mul3A_223, %add3A_224 : i32
        %get3A_226 = arith.index_cast %add3A_225 : i32 to index
        %get3A_227 = arith.constant 0 : index
        %get3A_228 = tpu.vector_load %arg6[%get3A_226, %get3A_227] {strides = array<i32>} : memref<200x32xf32, #tpu.memory_space<vmem>>, vector<1x16xf32>,
        %get3A_229 = vector.shape_cast %get3A_228 : vector<1x16xf32> to vector<16xf32>
        %add3A_230 = arith.addf %add3A_216, %get3A_229 : vector<16xf32>
        %get3A_231 = arith.index_cast %add3A_225 : i32 to index
        %get3A_232 = arith.constant 16 : index
        %get3A_233 = tpu.vector_load %arg6[%get3A_231, %get3A_232] {strides = array<i32>} : memref<200x32xf32, #tpu.memory_space<vmem>>, vector<1x16xf32>,
        %get3A_234 = vector.shape_cast %get3A_233 : vector<1x16xf32> to vector<16xf32>
        %add3A_235 = arith.addf %add3A_221, %get3A_234 : vector<16xf32>
        scf.yield %add3A_230, %add3A_235 : vector<16xf32>, vector<16xf32>
      }
      %scan3A_65 = arith.constant 25 : i32
      %swap3A = arith.index_cast %add3A_37 : i32 to index
      %swap3A_66 = arith.constant 0 : index
      %swap3A_67 = tpu.vector_load %arg8[%swap3A, %swap3A_66] {strides = array<i32>} : memref<128x32xf32, #tpu.memory_space<vmem>>, vector<1x16xf32>,
      %swap3A_68 = vector.shape_cast %swap3A_67 : vector<1x16xf32> to vector<16xf32>
      %swap3A_69 = vector.shape_cast %scan3A_64#0 : vector<16xf32> to vector<1x16xf32>
      tpu.vector_store %arg8[%swap3A, %swap3A_66], %swap3A_69 {strides = array<i32>} : memref<128x32xf32, #tpu.memory_space<vmem>>, vector<1x16xf32>,
      %swap3A_70 = arith.index_cast %add3A_37 : i32 to index
      %swap3A_71 = arith.constant 16 : index
      %swap3A_72 = tpu.vector_load %arg8[%swap3A_70, %swap3A_71] {strides = array<i32>} : memref<128x32xf32, #tpu.memory_space<vmem>>, vector<1x16xf32>,
      %swap3A_73 = vector.shape_cast %swap3A_72 : vector<1x16xf32> to vector<16xf32>
      %swap3A_74 = vector.shape_cast %scan3A_64#1 : vector<16xf32> to vector<1x16xf32>
      tpu.vector_store %arg8[%swap3A_70, %swap3A_71], %swap3A_74 {strides = array<i32>} : memref<128x32xf32, #tpu.memory_space<vmem>>, vector<1x16xf32>,
      %mul3A_75 = arith.constant 2 : i32
      %mul3A_76 = arith.muli %scan3A_33, %mul3A_75 : i32
      %add3A_77 = arith.constant 1 : i32
      %add3A_78 = arith.addi %mul3A_76, %add3A_77 : i32
      %add3A_79 = arith.constant 1 : i32
      %add3A_80 = arith.addi %add3A_78, %add3A_79 : i32
      %lt3A_81 = arith.constant 128 : i32
      %lt3A_82 = arith.cmpi slt, %add3A_80, %lt3A_81 : i32
      %convert_element_type3A_83 = arith.extui %lt3A_82 : i1 to i32
      %cond3A_84 = arith.constant 0 : i32
      %cond3A_85 = arith.cmpi ne, %convert_element_type3A_83, %cond3A_84 : i32
      scf.if %cond3A_85 {
        %dma_start3A_122 = arith.constant 0 : i32
        %dma_start3A_123 = arith.constant 0 : i32
        %dma_start3A_124 = tpu.memref_slice %arg6[%dma_start3A_122, %dma_start3A_123] : memref<200x32xf32, #tpu.memory_space<vmem>> -> memref<120x32xf32, #tpu.memory_space<vmem>>
        %dma_start3A_125 = arith.constant 0 : i32
        %dma_start3A_126 = tpu.memref_slice %arg5[%add3A_80, %dma_start3A_125] : memref<128x200xi32, #tpu.memory_space<vmem>> -> memref<1x120xi32, #tpu.memory_space<vmem>>
        %dma_start3A_127 = tpu.memref_squeeze %dma_start3A_126 : memref<1x120xi32, #tpu.memory_space<vmem>> -> memref<120xi32, #tpu.memory_space<vmem>>
        %dma_start3A_128 = arith.constant 0 : i32
        %dma_start3A_129 = arith.constant 0 : i32
        %dma_start3A_130 = tpu.memref_slice %arg3[%dma_start3A_128, %dma_start3A_129] : memref<1007616x32xf32, #tpu.memory_space<hbm>> -> memref<1007616x32xf32, #tpu.memory_space<hbm>>
        tpu.enqueue_indirect_dma source(%dma_start3A_130 : memref<1007616x32xf32, #tpu.memory_space<hbm>>) target(%dma_start3A_124 : memref<120x32xf32, #tpu.memory_space<vmem>>) offsets(%dma_start3A_127 : memref<120xi32, #tpu.memory_space<vmem>>) semaphore(%arg9 : memref<!tpu.dma_semaphore, #tpu.memory_space<semaphore_mem>>)
        %dma_start3A_131 = arith.constant 120 : i32
        %dma_start3A_132 = arith.constant 0 : i32
        %dma_start3A_133 = tpu.memref_slice %arg6[%dma_start3A_131, %dma_start3A_132] : memref<200x32xf32, #tpu.memory_space<vmem>> -> memref<80x32xf32, #tpu.memory_space<vmem>>
        %dma_start3A_134 = arith.constant 120 : i32
        %dma_start3A_135 = tpu.memref_slice %arg5[%add3A_80, %dma_start3A_134] : memref<128x200xi32, #tpu.memory_space<vmem>> -> memref<1x80xi32, #tpu.memory_space<vmem>>
        %dma_start3A_136 = tpu.memref_squeeze %dma_start3A_135 : memref<1x80xi32, #tpu.memory_space<vmem>> -> memref<80xi32, #tpu.memory_space<vmem>>
        %dma_start3A_137 = arith.constant 0 : i32
        %dma_start3A_138 = arith.constant 0 : i32
        %dma_start3A_139 = tpu.memref_slice %arg3[%dma_start3A_137, %dma_start3A_138] : memref<1007616x32xf32, #tpu.memory_space<hbm>> -> memref<1007616x32xf32, #tpu.memory_space<hbm>>
        tpu.enqueue_indirect_dma source(%dma_start3A_139 : memref<1007616x32xf32, #tpu.memory_space<hbm>>) target(%dma_start3A_133 : memref<80x32xf32, #tpu.memory_space<vmem>>) offsets(%dma_start3A_136 : memref<80xi32, #tpu.memory_space<vmem>>) semaphore(%arg9 : memref<!tpu.dma_semaphore, #tpu.memory_space<semaphore_mem>>)
      } else {
      }
      %dma_wait3A_86 = arith.constant 0 : i32
      %dma_wait3A_87 = arith.constant 0 : i32
      %dma_wait3A_88 = tpu.memref_slice %arg7[%dma_wait3A_86, %dma_wait3A_87] : memref<200x32xf32, #tpu.memory_space<vmem>> -> memref<120x32xf32, #tpu.memory_space<vmem>>
      %dma_wait3A_89 = arith.constant 0 : i32
      %dma_wait3A_90 = tpu.memref_slice %arg5[%add3A_78, %dma_wait3A_89] : memref<128x200xi32, #tpu.memory_space<vmem>> -> memref<1x120xi32, #tpu.memory_space<vmem>>
      %dma_wait3A_91 = tpu.memref_squeeze %dma_wait3A_90 : memref<1x120xi32, #tpu.memory_space<vmem>> -> memref<120xi32, #tpu.memory_space<vmem>>
      %dma_wait3A_92 = arith.constant 0 : i32
      %dma_wait3A_93 = arith.constant 0 : i32
      %dma_wait3A_94 = tpu.memref_slice %arg3[%dma_wait3A_92, %dma_wait3A_93] : memref<1007616x32xf32, #tpu.memory_space<hbm>> -> memref<1007616x32xf32, #tpu.memory_space<hbm>>
      tpu.wait_indirect_dma semaphore(%arg10 : memref<!tpu.dma_semaphore, #tpu.memory_space<semaphore_mem>>) src(%dma_wait3A_94 : memref<1007616x32xf32, #tpu.memory_space<hbm>>) dst(%dma_wait3A_88 : memref<120x32xf32, #tpu.memory_space<vmem>>)
      %dma_wait3A_95 = arith.constant 120 : i32
      %dma_wait3A_96 = arith.constant 0 : i32
      %dma_wait3A_97 = tpu.memref_slice %arg7[%dma_wait3A_95, %dma_wait3A_96] : memref<200x32xf32, #tpu.memory_space<vmem>> -> memref<80x32xf32, #tpu.memory_space<vmem>>
      %dma_wait3A_98 = arith.constant 120 : i32
      %dma_wait3A_99 = tpu.memref_slice %arg5[%add3A_78, %dma_wait3A_98] : memref<128x200xi32, #tpu.memory_space<vmem>> -> memref<1x80xi32, #tpu.memory_space<vmem>>
      %dma_wait3A_100 = tpu.memref_squeeze %dma_wait3A_99 : memref<1x80xi32, #tpu.memory_space<vmem>> -> memref<80xi32, #tpu.memory_space<vmem>>
      %dma_wait3A_101 = arith.constant 0 : i32
      %dma_wait3A_102 = arith.constant 0 : i32
      %dma_wait3A_103 = tpu.memref_slice %arg3[%dma_wait3A_101, %dma_wait3A_102] : memref<1007616x32xf32, #tpu.memory_space<hbm>> -> memref<1007616x32xf32, #tpu.memory_space<hbm>>
      tpu.wait_indirect_dma semaphore(%arg10 : memref<!tpu.dma_semaphore, #tpu.memory_space<semaphore_mem>>) src(%dma_wait3A_103 : memref<1007616x32xf32, #tpu.memory_space<hbm>>) dst(%dma_wait3A_97 : memref<80x32xf32, #tpu.memory_space<vmem>>)
      %broadcast_in_dim3A_104 = arith.constant 0.000000e+00 : f32
      %broadcast_in_dim3A_105 = vector.broadcast %broadcast_in_dim3A_104 : f32 to vector<16xf32>
      %scan3A_106 = arith.constant 0 : i32
      %scan3A_107 = arith.constant 25 : i32
      %scan3A_108 = arith.addi %scan3A_106, %scan3A_107 : i32
      %scan3A_109 = arith.constant 1 : i32
      %scan3A_110:2 = scf.for %scan3A_122 = %scan3A_106 to %scan3A_108 step %scan3A_109 iter_args(%scan3A_123 = %broadcast_in_dim3A_105, %scan3A_124 = %broadcast_in_dim3A_105) -> (vector<16xf32>, vector<16xf32>)  : i32 {
        %mul3A_125 = arith.constant 8 : i32
        %mul3A_126 = arith.muli %scan3A_122, %mul3A_125 : i32
        %add3A_127 = arith.constant 0 : i32
        %add3A_128 = arith.addi %mul3A_126, %add3A_127 : i32
        %get3A = arith.index_cast %add3A_128 : i32 to index
        %get3A_129 = arith.constant 0 : index
        %get3A_130 = tpu.vector_load %arg7[%get3A, %get3A_129] {strides = array<i32>} : memref<200x32xf32, #tpu.memory_space<vmem>>, vector<1x16xf32>,
        %get3A_131 = vector.shape_cast %get3A_130 : vector<1x16xf32> to vector<16xf32>
        %add3A_132 = arith.addf %scan3A_123, %get3A_131 : vector<16xf32>
        %get3A_133 = arith.index_cast %add3A_128 : i32 to index
        %get3A_134 = arith.constant 16 : index
        %get3A_135 = tpu.vector_load %arg7[%get3A_133, %get3A_134] {strides = array<i32>} : memref<200x32xf32, #tpu.memory_space<vmem>>, vector<1x16xf32>,
        %get3A_136 = vector.shape_cast %get3A_135 : vector<1x16xf32> to vector<16xf32>
        %add3A_137 = arith.addf %scan3A_124, %get3A_136 : vector<16xf32>
        %mul3A_138 = arith.constant 8 : i32
        %mul3A_139 = arith.muli %scan3A_122, %mul3A_138 : i32
        %add3A_140 = arith.constant 1 : i32
        %add3A_141 = arith.addi %mul3A_139, %add3A_140 : i32
        %get3A_142 = arith.index_cast %add3A_141 : i32 to index
        %get3A_143 = arith.constant 0 : index
        %get3A_144 = tpu.vector_load %arg7[%get3A_142, %get3A_143] {strides = array<i32>} : memref<200x32xf32, #tpu.memory_space<vmem>>, vector<1x16xf32>,
        %get3A_145 = vector.shape_cast %get3A_144 : vector<1x16xf32> to vector<16xf32>
        %add3A_146 = arith.addf %add3A_132, %get3A_145 : vector<16xf32>
        %get3A_147 = arith.index_cast %add3A_141 : i32 to index
        %get3A_148 = arith.constant 16 : index
        %get3A_149 = tpu.vector_load %arg7[%get3A_147, %get3A_148] {strides = array<i32>} : memref<200x32xf32, #tpu.memory_space<vmem>>, vector<1x16xf32>,
        %get3A_150 = vector.shape_cast %get3A_149 : vector<1x16xf32> to vector<16xf32>
        %add3A_151 = arith.addf %add3A_137, %get3A_150 : vector<16xf32>
        %mul3A_152 = arith.constant 8 : i32
        %mul3A_153 = arith.muli %scan3A_122, %mul3A_152 : i32
        %add3A_154 = arith.constant 2 : i32
        %add3A_155 = arith.addi %mul3A_153, %add3A_154 : i32
        %get3A_156 = arith.index_cast %add3A_155 : i32 to index
        %get3A_157 = arith.constant 0 : index
        %get3A_158 = tpu.vector_load %arg7[%get3A_156, %get3A_157] {strides = array<i32>} : memref<200x32xf32, #tpu.memory_space<vmem>>, vector<1x16xf32>,
        %get3A_159 = vector.shape_cast %get3A_158 : vector<1x16xf32> to vector<16xf32>
        %add3A_160 = arith.addf %add3A_146, %get3A_159 : vector<16xf32>
        %get3A_161 = arith.index_cast %add3A_155 : i32 to index
        %get3A_162 = arith.constant 16 : index
        %get3A_163 = tpu.vector_load %arg7[%get3A_161, %get3A_162] {strides = array<i32>} : memref<200x32xf32, #tpu.memory_space<vmem>>, vector<1x16xf32>,
        %get3A_164 = vector.shape_cast %get3A_163 : vector<1x16xf32> to vector<16xf32>
        %add3A_165 = arith.addf %add3A_151, %get3A_164 : vector<16xf32>
        %mul3A_166 = arith.constant 8 : i32
        %mul3A_167 = arith.muli %scan3A_122, %mul3A_166 : i32
        %add3A_168 = arith.constant 3 : i32
        %add3A_169 = arith.addi %mul3A_167, %add3A_168 : i32
        %get3A_170 = arith.index_cast %add3A_169 : i32 to index
        %get3A_171 = arith.constant 0 : index
        %get3A_172 = tpu.vector_load %arg7[%get3A_170, %get3A_171] {strides = array<i32>} : memref<200x32xf32, #tpu.memory_space<vmem>>, vector<1x16xf32>,
        %get3A_173 = vector.shape_cast %get3A_172 : vector<1x16xf32> to vector<16xf32>
        %add3A_174 = arith.addf %add3A_160, %get3A_173 : vector<16xf32>
        %get3A_175 = arith.index_cast %add3A_169 : i32 to index
        %get3A_176 = arith.constant 16 : index
        %get3A_177 = tpu.vector_load %arg7[%get3A_175, %get3A_176] {strides = array<i32>} : memref<200x32xf32, #tpu.memory_space<vmem>>, vector<1x16xf32>,
        %get3A_178 = vector.shape_cast %get3A_177 : vector<1x16xf32> to vector<16xf32>
        %add3A_179 = arith.addf %add3A_165, %get3A_178 : vector<16xf32>
        %mul3A_180 = arith.constant 8 : i32
        %mul3A_181 = arith.muli %scan3A_122, %mul3A_180 : i32
        %add3A_182 = arith.constant 4 : i32
        %add3A_183 = arith.addi %mul3A_181, %add3A_182 : i32
        %get3A_184 = arith.index_cast %add3A_183 : i32 to index
        %get3A_185 = arith.constant 0 : index
        %get3A_186 = tpu.vector_load %arg7[%get3A_184, %get3A_185] {strides = array<i32>} : memref<200x32xf32, #tpu.memory_space<vmem>>, vector<1x16xf32>,
        %get3A_187 = vector.shape_cast %get3A_186 : vector<1x16xf32> to vector<16xf32>
        %add3A_188 = arith.addf %add3A_174, %get3A_187 : vector<16xf32>
        %get3A_189 = arith.index_cast %add3A_183 : i32 to index
        %get3A_190 = arith.constant 16 : index
        %get3A_191 = tpu.vector_load %arg7[%get3A_189, %get3A_190] {strides = array<i32>} : memref<200x32xf32, #tpu.memory_space<vmem>>, vector<1x16xf32>,
        %get3A_192 = vector.shape_cast %get3A_191 : vector<1x16xf32> to vector<16xf32>
        %add3A_193 = arith.addf %add3A_179, %get3A_192 : vector<16xf32>
        %mul3A_194 = arith.constant 8 : i32
        %mul3A_195 = arith.muli %scan3A_122, %mul3A_194 : i32
        %add3A_196 = arith.constant 5 : i32
        %add3A_197 = arith.addi %mul3A_195, %add3A_196 : i32
        %get3A_198 = arith.index_cast %add3A_197 : i32 to index
        %get3A_199 = arith.constant 0 : index
        %get3A_200 = tpu.vector_load %arg7[%get3A_198, %get3A_199] {strides = array<i32>} : memref<200x32xf32, #tpu.memory_space<vmem>>, vector<1x16xf32>,
        %get3A_201 = vector.shape_cast %get3A_200 : vector<1x16xf32> to vector<16xf32>
        %add3A_202 = arith.addf %add3A_188, %get3A_201 : vector<16xf32>
        %get3A_203 = arith.index_cast %add3A_197 : i32 to index
        %get3A_204 = arith.constant 16 : index
        %get3A_205 = tpu.vector_load %arg7[%get3A_203, %get3A_204] {strides = array<i32>} : memref<200x32xf32, #tpu.memory_space<vmem>>, vector<1x16xf32>,
        %get3A_206 = vector.shape_cast %get3A_205 : vector<1x16xf32> to vector<16xf32>
        %add3A_207 = arith.addf %add3A_193, %get3A_206 : vector<16xf32>
        %mul3A_208 = arith.constant 8 : i32
        %mul3A_209 = arith.muli %scan3A_122, %mul3A_208 : i32
        %add3A_210 = arith.constant 6 : i32
        %add3A_211 = arith.addi %mul3A_209, %add3A_210 : i32
        %get3A_212 = arith.index_cast %add3A_211 : i32 to index
        %get3A_213 = arith.constant 0 : index
        %get3A_214 = tpu.vector_load %arg7[%get3A_212, %get3A_213] {strides = array<i32>} : memref<200x32xf32, #tpu.memory_space<vmem>>, vector<1x16xf32>,
        %get3A_215 = vector.shape_cast %get3A_214 : vector<1x16xf32> to vector<16xf32>
        %add3A_216 = arith.addf %add3A_202, %get3A_215 : vector<16xf32>
        %get3A_217 = arith.index_cast %add3A_211 : i32 to index
        %get3A_218 = arith.constant 16 : index
        %get3A_219 = tpu.vector_load %arg7[%get3A_217, %get3A_218] {strides = array<i32>} : memref<200x32xf32, #tpu.memory_space<vmem>>, vector<1x16xf32>,
        %get3A_220 = vector.shape_cast %get3A_219 : vector<1x16xf32> to vector<16xf32>
        %add3A_221 = arith.addf %add3A_207, %get3A_220 : vector<16xf32>
        %mul3A_222 = arith.constant 8 : i32
        %mul3A_223 = arith.muli %scan3A_122, %mul3A_222 : i32
        %add3A_224 = arith.constant 7 : i32
        %add3A_225 = arith.addi %mul3A_223, %add3A_224 : i32
        %get3A_226 = arith.index_cast %add3A_225 : i32 to index
        %get3A_227 = arith.constant 0 : index
        %get3A_228 = tpu.vector_load %arg7[%get3A_226, %get3A_227] {strides = array<i32>} : memref<200x32xf32, #tpu.memory_space<vmem>>, vector<1x16xf32>,
        %get3A_229 = vector.shape_cast %get3A_228 : vector<1x16xf32> to vector<16xf32>
        %add3A_230 = arith.addf %add3A_216, %get3A_229 : vector<16xf32>
        %get3A_231 = arith.index_cast %add3A_225 : i32 to index
        %get3A_232 = arith.constant 16 : index
        %get3A_233 = tpu.vector_load %arg7[%get3A_231, %get3A_232] {strides = array<i32>} : memref<200x32xf32, #tpu.memory_space<vmem>>, vector<1x16xf32>,
        %get3A_234 = vector.shape_cast %get3A_233 : vector<1x16xf32> to vector<16xf32>
        %add3A_235 = arith.addf %add3A_221, %get3A_234 : vector<16xf32>
        scf.yield %add3A_230, %add3A_235 : vector<16xf32>, vector<16xf32>
      }
      %scan3A_111 = arith.constant 25 : i32
      %swap3A_112 = arith.index_cast %add3A_78 : i32 to index
      %swap3A_113 = arith.constant 0 : index
      %swap3A_114 = tpu.vector_load %arg8[%swap3A_112, %swap3A_113] {strides = array<i32>} : memref<128x32xf32, #tpu.memory_space<vmem>>, vector<1x16xf32>,
      %swap3A_115 = vector.shape_cast %swap3A_114 : vector<1x16xf32> to vector<16xf32>
      %swap3A_116 = vector.shape_cast %scan3A_110#0 : vector<16xf32> to vector<1x16xf32>
      tpu.vector_store %arg8[%swap3A_112, %swap3A_113], %swap3A_116 {strides = array<i32>} : memref<128x32xf32, #tpu.memory_space<vmem>>, vector<1x16xf32>,
      %swap3A_117 = arith.index_cast %add3A_78 : i32 to index
      %swap3A_118 = arith.constant 16 : index
      %swap3A_119 = tpu.vector_load %arg8[%swap3A_117, %swap3A_118] {strides = array<i32>} : memref<128x32xf32, #tpu.memory_space<vmem>>, vector<1x16xf32>,
      %swap3A_120 = vector.shape_cast %swap3A_119 : vector<1x16xf32> to vector<16xf32>
      %swap3A_121 = vector.shape_cast %scan3A_110#1 : vector<16xf32> to vector<1x16xf32>
      tpu.vector_store %arg8[%swap3A_117, %swap3A_118], %swap3A_121 {strides = array<i32>} : memref<128x32xf32, #tpu.memory_space<vmem>>, vector<1x16xf32>,
    }
    %scan3A_32 = arith.constant 64 : i32
    "tpu.region"() ({
      %run_scoped3A = tpu.sem_alloc : memref<!tpu.dma_semaphore, #tpu.memory_space<semaphore_mem>>
      %dma_start3A_33 = arith.constant 0 : i32
      %dma_start3A_34 = tpu.memref_slice %arg4[%mul3A_2, %dma_start3A_33] : memref<4096x32xf32, #tpu.memory_space<hbm>> -> memref<128x32xf32, #tpu.memory_space<hbm>>
      %dma_start3A_35 = arith.constant 0 : i32
      %dma_start3A_36 = tpu.memref_slice %arg4[%mul3A_2, %dma_start3A_35] : memref<4096x32xf32, #tpu.memory_space<hbm>> -> memref<128x32xf32, #tpu.memory_space<hbm>>
      tpu.enqueue_dma source(%arg8 : memref<128x32xf32, #tpu.memory_space<vmem>>) target(%dma_start3A_36 : memref<128x32xf32, #tpu.memory_space<hbm>>) target_semaphore(%run_scoped3A : memref<!tpu.dma_semaphore, #tpu.memory_space<semaphore_mem>>)
      %dma_wait3A = arith.constant 0 : i32
      %dma_wait3A_37 = tpu.memref_slice %arg4[%mul3A_2, %dma_wait3A] : memref<4096x32xf32, #tpu.memory_space<hbm>> -> memref<128x32xf32, #tpu.memory_space<hbm>>
      %dma_wait3A_38 = arith.constant 0 : i32
      %dma_wait3A_39 = tpu.memref_slice %arg4[%mul3A_2, %dma_wait3A_38] : memref<4096x32xf32, #tpu.memory_space<hbm>> -> memref<128x32xf32, #tpu.memory_space<hbm>>
      tpu.wait_dma2 semaphore(%run_scoped3A : memref<!tpu.dma_semaphore, #tpu.memory_space<semaphore_mem>>) src(%arg8 : memref<128x32xf32, #tpu.memory_space<vmem>>) dst(%dma_wait3A_39 : memref<128x32xf32, #tpu.memory_space<hbm>>)
      tpu.yield
    }) : () -> ()
    return
  }
}

module attributes {stable_mosaic.version = 14 : i64} {
  func.func @_tc_detile(%arg0: i32, %arg1: memref<32x8192xf32, #tpu.memory_space<vmem>>, %arg2: memref<2048x128xf32, #tpu.memory_space<vmem>>) attributes {dimension_semantics = [#tpu.dimension_semantics<arbitrary>], iteration_bounds = array<i64: 123>, scalar_prefetch = 0 : i64, scratch_operands = 0 : i64, tpu.core_type = #tpu.core_type<tc>, window_params = [{transform_indices = @transform_0, window_bounds = array<i64: 32, 8192>}, {transform_indices = @transform_1, window_bounds = array<i64: 2048, 128>}]} {
    %get3A = arith.constant 0 : index
    %get3A_0 = arith.constant 0 : index
    %get3A_1 = vector.load %arg1[%get3A, %get3A_0] : memref<32x8192xf32, #tpu.memory_space<vmem>>, vector<32x8192xf32>
    %slice3A = vector.extract_strided_slice %get3A_1 {offsets = [0, 0], sizes = [32, 2048], strides = [1, 1]} : vector<32x8192xf32> to vector<32x2048xf32>
    %slice3A_2 = vector.extract_strided_slice %get3A_1 {offsets = [0, 2048], sizes = [32, 2048], strides = [1, 1]} : vector<32x8192xf32> to vector<32x2048xf32>
    %slice3A_3 = vector.extract_strided_slice %get3A_1 {offsets = [0, 4096], sizes = [32, 2048], strides = [1, 1]} : vector<32x8192xf32> to vector<32x2048xf32>
    %slice3A_4 = vector.extract_strided_slice %get3A_1 {offsets = [0, 6144], sizes = [32, 2048], strides = [1, 1]} : vector<32x8192xf32> to vector<32x2048xf32>
    %concatenate3A = tpu.concatenate %slice3A, %slice3A_2, %slice3A_3, %slice3A_4 in 0 : vector<32x2048xf32>, vector<32x2048xf32>, vector<32x2048xf32>, vector<32x2048xf32> -> vector<128x2048xf32>
    %transpose3A = tpu.transpose %concatenate3A, [1, 0] : vector<128x2048xf32> -> vector<2048x128xf32>
    %swap3A = arith.constant 0 : index
    %swap3A_5 = arith.constant 0 : index
    %swap3A_6 = vector.load %arg2[%swap3A, %swap3A_5] : memref<2048x128xf32, #tpu.memory_space<vmem>>, vector<2048x128xf32>
    tpu.vector_store %arg2[%swap3A, %swap3A_5], %transpose3A {strides = array<i32>} : memref<2048x128xf32, #tpu.memory_space<vmem>>, vector<2048x128xf32>,
    return
  }
  func.func @transform_0(%arg0: i32) -> (i32, i32) {
    %c0_i32 = arith.constant 0 : i32
    %c0_i32_0 = arith.constant 0 : i32
    return %c0_i32, %arg0 : i32, i32
  }
  func.func @transform_1(%arg0: i32) -> (i32, i32) {
    %c0_i32 = arith.constant 0 : i32
    %c0_i32_0 = arith.constant 0 : i32
    return %arg0, %c0_i32 : i32, i32
  }
}

module attributes {stable_mosaic.version = 14 : i64} {
  func.func @_tc_head(%arg0: i32, %arg1: memref<512x32xf32, #tpu.memory_space<vmem>>, %arg2: memref<512x200xi32, #tpu.memory_space<vmem>>, %arg3: memref<32x50xf32, #tpu.memory_space<vmem>>, %arg4: memref<1x50xf32, #tpu.memory_space<vmem>>, %arg5: memref<512x50xf32, #tpu.memory_space<vmem>>) attributes {dimension_semantics = [#tpu.dimension_semantics<arbitrary>], iteration_bounds = array<i64: 8>, scalar_prefetch = 0 : i64, scratch_operands = 0 : i64, tpu.core_type = #tpu.core_type<tc>, window_params = [{transform_indices = @transform_0, window_bounds = array<i64: 512, 32>}, {transform_indices = @transform_1, window_bounds = array<i64: 512, 200>}, {pipeline_mode = #tpu.pipeline_mode<synchronous>, transform_indices = @transform_2, window_bounds = array<i64: 32, 50>}, {pipeline_mode = #tpu.pipeline_mode<synchronous>, transform_indices = @transform_3, window_bounds = array<i64: 1, 50>}, {transform_indices = @transform_4, window_bounds = array<i64: 512, 50>}]} {
    %get3A = arith.constant 0 : index
    %get3A_0 = arith.constant 0 : index
    %get3A_1 = vector.load %arg2[%get3A, %get3A_0] : memref<512x200xi32, #tpu.memory_space<vmem>>, vector<512x200xi32>
    %ne3A = arith.constant 0 : i32
    %ne3A_2 = vector.broadcast %ne3A : i32 to vector<512x200xi32>
    %ne3A_3 = arith.cmpi ne, %get3A_1, %ne3A_2 : vector<512x200xi32>
    %convert_element_type3A = arith.extui %ne3A_3 : vector<512x200xi1> to vector<512x200xi32>
    %convert_element_type3A_4 = arith.sitofp %convert_element_type3A : vector<512x200xi32> to vector<512x200xf32>
    %reduce_sum3A = arith.constant dense<0.000000e+00> : vector<512xf32>
    %reduce_sum3A_5 = vector.multi_reduction <add>, %convert_element_type3A_4, %reduce_sum3A [1] : vector<512x200xf32> to vector<512xf32>
    %broadcast_in_dim3A = vector.shape_cast %reduce_sum3A_5 : vector<512xf32> to vector<512x1xf32>
    %max3A = arith.constant 1.000000e+00 : f32
    %max3A_6 = vector.broadcast %max3A : f32 to vector<512x1xf32>
    %max3A_7 = arith.maximumf %broadcast_in_dim3A, %max3A_6 : vector<512x1xf32>
    %get3A_8 = arith.constant 0 : index
    %get3A_9 = arith.constant 0 : index
    %get3A_10 = vector.load %arg1[%get3A_8, %get3A_9] : memref<512x32xf32, #tpu.memory_space<vmem>>, vector<512x32xf32>
    %div3A = vector.broadcast %max3A_7 : vector<512x1xf32> to vector<512x32xf32>
    %div3A_11 = arith.divf %get3A_10, %div3A : vector<512x32xf32>
    %get3A_12 = arith.constant 0 : index
    %get3A_13 = arith.constant 0 : index
    %get3A_14 = vector.load %arg3[%get3A_12, %get3A_13] : memref<32x50xf32, #tpu.memory_space<vmem>>, vector<32x50xf32>
    %dot_general3A = arith.constant dense<0.000000e+00> : vector<512x50xf32>
    %dot_general3A_15 = tpu.matmul %div3A_11, %get3A_14, %dot_general3A {dimension_numbers = #tpu.dot_dimension_numbers<[1], [0], [0], [1], [0, 0, 1, 1], [], []>, transpose_lhs_hint = false} : vector<512x32xf32>, vector<32x50xf32>, vector<512x50xf32> -> vector<512x50xf32>
    %get3A_16 = arith.constant 0 : index
    %get3A_17 = arith.constant 0 : index
    %get3A_18 = vector.load %arg4[%get3A_16, %get3A_17] : memref<1x50xf32, #tpu.memory_space<vmem>>, vector<1x50xf32>
    %add3A = vector.broadcast %get3A_18 : vector<1x50xf32> to vector<512x50xf32>
    %add3A_19 = arith.addf %dot_general3A_15, %add3A : vector<512x50xf32>
    %swap3A = arith.constant 0 : index
    %swap3A_20 = arith.constant 0 : index
    %swap3A_21 = vector.load %arg5[%swap3A, %swap3A_20] : memref<512x50xf32, #tpu.memory_space<vmem>>, vector<512x50xf32>
    tpu.vector_store %arg5[%swap3A, %swap3A_20], %add3A_19 {strides = array<i32>} : memref<512x50xf32, #tpu.memory_space<vmem>>, vector<512x50xf32>,
    return
  }
  func.func @transform_0(%arg0: i32) -> (i32, i32) {
    %c0_i32 = arith.constant 0 : i32
    %c0_i32_0 = arith.constant 0 : i32
    return %arg0, %c0_i32 : i32, i32
  }
  func.func @transform_1(%arg0: i32) -> (i32, i32) {
    %c0_i32 = arith.constant 0 : i32
    %c0_i32_0 = arith.constant 0 : i32
    return %arg0, %c0_i32 : i32, i32
  }
  func.func @transform_2(%arg0: i32) -> (i32, i32) {
    %c0_i32 = arith.constant 0 : i32
    %c0_i32_0 = arith.constant 0 : i32
    %c0_i32_1 = arith.constant 0 : i32
    return %c0_i32, %c0_i32_0 : i32, i32
  }
  func.func @transform_3(%arg0: i32) -> (i32, i32) {
    %c0_i32 = arith.constant 0 : i32
    %c0_i32_0 = arith.constant 0 : i32
    %c0_i32_1 = arith.constant 0 : i32
    return %c0_i32, %c0_i32_0 : i32, i32
  }
  func.func @transform_4(%arg0: i32) -> (i32, i32) {
    %c0_i32 = arith.constant 0 : i32
    %c0_i32_0 = arith.constant 0 : i32
    return %arg0, %c0_i32 : i32, i32
  }
}

</mosaic_0001>

<sc_bundles>
// kernel: sc_gather_sum.3.cloned.1.call-start
scs
__scs_entry_jumppad:
0x0: {  	(pc) =	sbr.rel $0x88, $3  }
0x1: {  	(tag) =	ssettag $0x0;
	lr =	simm.s32 $0x1  }
0x2: {  	[smem:$0x3F9D] =	sst lr;
	_ =	strace $0xD0000000  }
0x3: {  	_ = 	snop  }
0x4: {  	_ = 	snop  }
0x5: {  	_ = 	snop  }
0x6: {  	_ = 	snop  }
0x7: {  	_ = 	snop  }
__scs_overlays_trampoline_lowered:
0x8: {  	[smem:$0x3FAC] =	sst s0  }
0x9: {  	[smem:$0x3FAD] =	sst s1  }
0xa: {  	[smem:$0x3FAE] =	sst s2  }
0xb: {  	[smem:$0x3FAF] =	sst s3  }
0xc: {  	[smem:$0x3FB0] =	sst s4  }
0xd: {  	[smem:$0x3FB1] =	sst s5  }
0xe: {  	[smem:$0x3FB2] =	sst s6  }
0xf: {  	[smem:$0x3FB3] =	sst s7  }
0x10: {  	[smem:$0x3FB4] =	sst s8  }
0x11: {  	[smem:$0x3FB5] =	sst s9;
	s0 =	simm.s32 @!p0 $0x0  }
0x12: {  	s1 =	sld [smem:$0x3F9B];
	s0 =	simm.s32 @p0 $0x1  }
0x13: {  	[smem:$0x3FB6] =	sst s0;
	s0 =	simm.s32 @!p1 $0x0  }
0x14: {  	s2 =	sld [smem:$0x3F9A];
	s0 =	simm.s32 @p1 $0x1  }
0x15: {  	[smem:$0x3FB7] =	sst s0;
	s0 =	simm.s32 @!p2 $0x0  }
0x16: {  	s3 =	sld [smem:$0x3FDB];
	s0 =	simm.s32 @p2 $0x1  }
0x17: {  	s4 =	simm.s32 $0x1BF5;
	[smem:$0x3FB9] =	sst s0  }
0x18: {  	s0 =	sld [smem:$0x3F9C];
	_ =	swait.ge [sflag:s4], $0x0  }
0x19: {  	s7 =	sld [smem:$0x3F9D]  }
0x1a: {  	s8 =	sadd.s32 $0xFFFFE003, lr  }
0x1b: {  	s9 =	sadd.s32 $0xFFFFFEF7, lr;
	s5 =	simm.s32 $0xFFFFFFFF;
	p2 =	slt.u32 s8, $0xFFFFF086  }
0x1c: {  	p1 =	slt.u32 s9, $0xF7A;
	s5 =	simm.s32 @!p2 $0x0  }
0x1d: {  	s5 =	simm.s32 @p1 $0x1;
	p0 =	seq.s32 s7, s2  }
0x1e: {  	s7 =	smul.u32 @!p0 $0xF7A, s2;
	p2 =	seq.s32 @!p0 s5, $0x0  }
0x1f: {  	s9 =	smul.u32 $0xF7A, s1;
	s8 =	simm.s32 @!p0 $0x1BF5;
	p2 =	por !p2, p0  }
0x20: {  	[sflag:s8] =	ssyncset.s32 @!p0 $0xFFFFF086;
	s6 =	sadd.s32 @!p0 s3, s7;
	s7 =	simm.s32 @!p0 $0x108  }
0x21: {  	s3 =	sadd.s32 s3, s9;
	s6 =	sadd.s32 @!p0 $0x88, s6;
	s7 =	simm.s32 @p2 $0x1082  }
0x22: {  	[simem:s7], [sflag:s8] =	dma.local @!p0 [hbm:s6], $0xF7A  }
0x23: {  	s9 =	sor.u32 $0xD0000000, s2;
	s6 =	simm.s32 $0x108;
	_ =	swait.ge @!p0 [sflag:s8], $0x0  }
0x24: {  	s3 =	sadd.s32 $0x88, s3;
	s6 =	simm.s32 @!p1 $0x1082;
	[sflag:s4] =	ssyncset.s32 $0xFFFFF086  }
0x25: {  	[simem:s6], [sflag:s4] =	dma.local [hbm:s3], $0xF7A  }
0x26: {  	[smem:$0x3F9D] =	sst s1;
	(tag) =	ssettag s2;
	_ =	strace s9  }
0x27: {  	s1 =	sld [smem:$0x3FAD]  }
0x28: {  	s2 =	sld [smem:$0x3FAE]  }
0x29: {  	s4 =	sld [smem:$0x3FB0]  }
0x2a: {  	p0 =	seq.s32 s5, $0x0;
	s5 =	sld [smem:$0x3FB1]  }
0x2b: {  	s6 =	sld [smem:$0x3FB2]  }
0x2c: {  	s7 =	sld [smem:$0x3FB3]  }
0x2d: {  	s3 =	simm.s32 $0x108;
	s8 =	sld [smem:$0x3FB4]  }
0x2e: {  	s3 =	simm.s32 @!p0 $0x1082;
	s9 =	sld [smem:$0x3FB5]  }
0x2f: {  	lr =	sadd.s32 s0, s3;
	s0 =	sld [smem:$0x3FAC]  }
0x30: {  	s3 =	sld [smem:$0x3FAF]  }
0x31: {  	[smem:$0x3FB8] =	sst s10  }
0x32: {  	s10 =	sld [smem:$0x3FB6];
	_ =	sdelay $0x3  }
0x33: {  	p0 =	seq.s32 s10, $0x1;
	s10 =	sld [smem:$0x3FB8];
	_ =	sdelay $0x3  }
0x34: {  	[smem:$0x3FB8] =	sst s10  }
0x35: {  	s10 =	sld [smem:$0x3FB7];
	_ =	sdelay $0x3  }
0x36: {  	p1 =	seq.s32 s10, $0x1;
	s10 =	sld [smem:$0x3FB8];
	_ =	sdelay $0x3  }
0x37: {  	[smem:$0x3FB8] =	sst s10  }
0x38: {  	s10 =	sld [smem:$0x3FB9]  }
0x39: {  	_ = 	snop;
	(pc) =	sbr.ind lr, $3  }
0x3a: {  	_ = 	snop  }
0x3b: {  	_ = 	snop  }
0x3c: {  	p2 =	seq.s32 s10, $0x1;
	s10 =	sld [smem:$0x3FB8]  }
0x3d: {  	_ =	shalt  }
0x3e: {  	_ =	shalt  }
0x3f: {  	_ =	shalt  }
0x40: {  	_ =	shalt  }
0x41: {  	_ =	shalt  }
0x42: {  	_ =	shalt  }
0x43: {  	_ =	shalt  }
0x44: {  	_ =	shalt  }
0x45: {  	_ =	shalt  }
0x46: {  	_ =	shalt  }
0x47: {  	_ =	shalt  }
0x48: {  	_ =	shalt  }
0x49: {  	_ =	shalt  }
0x4a: {  	_ =	shalt  }
0x4b: {  	_ =	shalt  }
0x4c: {  	_ =	shalt  }
0x4d: {  	_ =	shalt  }
0x4e: {  	_ =	shalt  }
0x4f: {  	_ =	shalt  }
0x50: {  	_ =	shalt  }
0x51: {  	_ =	shalt  }
0x52: {  	_ =	shalt  }
0x53: {  	_ =	shalt  }
0x54: {  	_ =	shalt  }
0x55: {  	_ =	shalt  }
0x56: {  	_ =	shalt  }
0x57: {  	_ =	shalt  }
0x58: {  	_ =	shalt  }
0x59: {  	_ =	shalt  }
0x5a: {  	_ =	shalt  }
0x5b: {  	_ =	shalt  }
0x5c: {  	_ =	shalt  }
0x5d: {  	_ =	shalt  }
0x5e: {  	_ =	shalt  }
0x5f: {  	_ =	shalt  }
0x60: {  	_ =	shalt  }
0x61: {  	_ =	shalt  }
0x62: {  	_ =	shalt  }
0x63: {  	_ =	shalt  }
0x64: {  	_ =	shalt  }
0x65: {  	_ =	shalt  }
0x66: {  	_ =	shalt  }
0x67: {  	_ =	shalt  }
0x68: {  	_ =	shalt  }
0x69: {  	_ =	shalt  }
0x6a: {  	_ =	shalt  }
0x6b: {  	_ =	shalt  }
0x6c: {  	_ =	shalt  }
0x6d: {  	_ =	shalt  }
0x6e: {  	_ =	shalt  }
0x6f: {  	_ =	shalt  }
0x70: {  	_ =	shalt  }
0x71: {  	_ =	shalt  }
0x72: {  	_ =	shalt  }
0x73: {  	_ =	shalt  }
0x74: {  	_ =	shalt  }
0x75: {  	_ =	shalt  }
0x76: {  	_ =	shalt  }
0x77: {  	_ =	shalt  }
0x78: {  	_ =	shalt  }
0x79: {  	_ =	shalt  }
0x7a: {  	_ =	shalt  }
0x7b: {  	_ =	shalt  }
0x7c: {  	_ =	shalt  }
0x7d: {  	_ =	shalt  }
0x7e: {  	_ =	shalt  }
0x7f: {  	_ =	shalt  }
0x80: {  	_ =	shalt  }
0x81: {  	_ =	shalt  }
0x82: {  	_ =	shalt  }
0x83: {  	_ =	shalt  }
0x84: {  	_ =	shalt  }
0x85: {  	_ =	shalt  }
0x86: {  	_ =	shalt  }
0x87: {  	_ =	shalt  }
.Lfunc_end0:
.L_simem_size_0:
called_computation_lowered:
.L_overlay_start_0:
0x88: {  	s2 =	sld [smem:$0x3FD9]  }
0x89: {  	s3 =	sld [smem:$0x3FFE];
	_ =	sdelay $0x1  }
0x8a: {  	s1 =	srdreg.scid  }
0x8b: {  	s0 =	sand.u32 $0x1, s1  }
0x8c: {  	s17 =	sshll.u32 s0, $0xA;
	s2 =	sadd.s32 s3, s2  }
0x8d: {  	s2 =	sadd.s32 s2, s17  }
0x8e: {  	[smem:$0x3FC4] =	sst s2  }
0x8f: {  	_ = 	snop  }
0x90: {  	s2 =	sld [smem:$0x3FD0];
	(tm) =	ssettm $0x1  }
0x91: {  	s18 =	sld [smem:$0x3FFB];
	_ =	sdelay $0x3  }
0x92: {  	_ =	strace s18  }
0x93: {  	s3 =	sld [smem:$0x3FFC];
	_ =	sdelay $0x3  }
0x94: {  	_ =	strace s3  }
0x95: {  	s3 =	sld [smem:$0x3FFD];
	_ =	sdelay $0x3  }
0x96: {  	_ =	strace s3  }
0x97: {  	_ =	strace $0x8FFFFFFF  }
0x98: {  	s19 =	sld [smem:$0x3FDB];
	_ =	sdelay $0x1  }
0x99: {  	s4 =	simm.s32 $_scs_section_size  }
0x9a: {  	s5 =	simm.s32 $_size__tile_overlayer_lowered;
	s6 =	simm.s32 $_tile_overlayer_lowered  }
0x9b: {  	s22 =	simm.s32 $0x1BFF;
	s21 =	sshll.u32 s6, $0x1;
	s3 =	sadd.s32 s4, s19  }
0x9c: {  	s7 =	simm.s32 $0x0;
	s20 =	sshll.u32 s5, $0x1;
	s5 =	sadd.s32 s21, s3  }
0x9d: {  	[timem:s7], [sflag:s22] =	dma.local [hbm:s5], s20  }
0x9e: {  	_ =	swait.ge [sflag:s22], s20  }
0x9f: {  	s4 =	ssub.s32 $0x0, s20;
	[sflag:s22] =	ssyncset.done $0x0  }
0xa0: {  	[sflag:s22] =	ssyncadd.s32 s4;
	_ =	sdelay $0x1  }
0xa1: {  	s23 =	simm.s32 $0x1B8B  }
0xa2: {  	_ =	swait.ge [sflag:s23], $0x1  }
0xa3: {  	[sflag:s23] =	ssyncset.done $0x0  }
0xa4: {  	s25 =	simm.s32 $0x1B8E;
	s24 =	sld [smem:$0x3FFE];
	[sflag:s23] =	ssyncadd.s32 $0xFFFFFFFF  }
0xa5: {  	s26 =	simm.s32 $execute0_lowered;
	[smem:$0x3FD2] =	sst s25  }
0xa6: {  	s5 =	sshll.u32 s26, $0x1;
	_ =	strace $0x80000046;
	[dreg:$0x1] =	wrdreg $0xFFFFFFFF  }
0xa7: {  	s28 =	simm.s32 $_size_execute0_lowered;
	s3 =	sadd.s32 s3, s5;
	[dreg:$0x0] =	wrdreg $0x0  }
0xa8: {  	s5 =	sshll.u32 s28, $0x1;
	[dreg:$0x2] =	wrdreg s3  }
0xa9: {  	[dreg:$0x3] =	wrdreg s5  }
0xaa: {  	[dreg:$0x4] =	wrdreg $0xC0  }
0xab: {  	_ =	task [dreg:s7], $0x5FFFF  }
0xac: {  	[dreg:$0x1] =	wrdreg $0xFFFFFFFF  }
0xad: {  	[dreg:$0x0] =	wrdreg $0x60  }
0xae: {  	[dreg:$0x2] =	wrdreg s24  }
0xaf: {  	[dreg:$0x3] =	wrdreg s2  }
0xb0: {  	[dreg:$0x4] =	wrdreg $0x9  }
0xb1: {  	_ =	task.clear_ibuf [dreg:s7], $0x5FFFF;
	_ =	strace $0x90000046  }
0xb2: {  	s29 =	simm.s32 $0x9;
	_ =	strace $0x80000048  }
0xb3: {  	_ =	swait.ge [sflag:s29], $0x1  }
0xb4: {  	[sflag:s29] =	ssyncadd.s32 $0xFFFFFFFF  }
0xb5: {  	_ =	strace $0x90000048  }
0xb6: {  	_ =	sfence  }
0xb7: {  	s30 =	sld [smem:$0x0];
	_ =	sdelay $0x2  }
0xb8: {  	s31 =	sshll.u32 s1, $0xD;
	s1 =	sshrl.u32 s1, $0x2  }
0xb9: {  	s3 =	sand.u32 $0x4000, s31;
	s1 =	sadd.s32 s1, s30  }
0xba: {  	s0 =	sor.u32 s3, s0;
	s1 =	sshll.u32 s1, $0x11  }
0xbb: {  	s0 =	sor.u32 s1, s0  }
0xbc: {  	s0 =	sadd.s32 $0x8F2B, s0  }
0xbd: {  	[sflag:s0] =	ssyncadd.remote.s32 $0x1  }
0xbe: {  	_ =	sfence.sel $0xFFFF  }
0xbf: {  	[dreg:$0x0] =	wrdreg $0xFFFFFFFF;
	(pc) =	sbr.abs _section_cstart, $3  }
0xc0: {  	[dreg:$0x1] =	wrdreg $0xFFFFFFFF  }
0xc1: {  	_ =	task.clear_ibuf [dreg:s7], $0x2FFFF;
	_ =	strace $0x9FFFFFFF  }
0xc2: {  	(tm) =	ssettm $0x7FFFFFFF  }
0xc3: {  	_ =	shalt  }
tec
execute0_lowered:
.L_overlay_start_1:
0x0: {  	(tag) =	ssettag $0x1  }
0x1: {  	s1 =	srdreg.scid  }
0x2: {  	s0 =	stileid.u32;
	s4 =	rddreg [dreg:$0x0]  }
0x3: {  	s5 =	rddreg [dreg:$0x1];
	s9 =	simm.s32 $0x6400;
	s10 =	simm.s32 $0x50  }
0x4: {  	s11 =	simm.s32 $0x7300;
	s12 =	simm.s32 $0x7D00;
	s13 =	simm.s32 $0x8C00  }
0x5: {  	s14 =	simm.s32 $0x1;
	s15 =	simm.s32 $0x2;
	s16 =	simm.s32 $0x9600  }
0x6: {  	s17 =	simm.s32 $0x0;
	s3 =	sand.u32 $0x1, s1;
	s30 =	sshll.u32 s0, $0x8  }
0x7: {  	s1 =	rddreg [dreg:$0x2];
	s2 =	sshll.u32 s3, $0x7;
	s8 =	ssub.s32 $0x2, s3  }
0x8: {  	s3 =	sadd.s32 $0x39C00, s4;
	s6 =	sor.u32 s2, s30;
	s2 =	simm.s32 $0x0  }
0x9: {  	s31 =	sshrl.u32 s8, $0x1;
	s7 =	smul.u32 $0x19, s6;
	[smem:$0x7FF] =	sst s2  }
0xa: {  	s6 =	sshll.u32 s6, $0x2;
	s8 =	ssub.s32 s8, s31;
	_ =	strace $0x80000047  }
0xb: {  	s5 =	sadd.s32 s5, s6;
	s6 =	smax.u32 s8, $0x1;
	s7 =	sadd.s32 s7, s4  }
0xc: {  	vm0 =	vmmov $0xff;
	s8 =	simm.s32 $0x78;
	s4 =	sadd.s32 $0x20C00, s7;
	s7 =	simm.s32 $0x3  }
.LBB2_1:
0xd: {  	[tilespmem:s2], [sflag:$0x3] =	stream.linear.gather [hbm4b:s4+s2], $0x6400, $0x38;
	[tilespmem:$0xA600] =	vst v63  }
0xe: {  	_ =	swait.ge [sflag:s7], $0x6400  }
0xf: {  	[sflag:s7] =	ssyncset.done $0x0  }
0x10: {  	s18 =	simm.s32 $0x0;
	[sflag:s7] =	ssyncadd.s32 $0xFFFF9C00  }
0x11: {  	v0 =	vld [tilespmem:s18+$0x90]  }
0x12: {  	v1 =	vld [tilespmem:s18+$0xA0]  }
0x13: {  	v2 =	vld [tilespmem:s18+$0x50]  }
0x14: {  	v3 =	vld [tilespmem:s18+$0x70]  }
0x15: {  	v4 =	vld [tilespmem:s18+$0x80]  }
0x16: {  	v5 =	vld [tilespmem:s18+$0x20]  }
0x17: {  	v6 =	vld [tilespmem:s18+$0x60]  }
0x18: {  	v9 =	vld [tilespmem:s18+$0x40];
	v7 =	vshll.u32 v0, $0x2  }
0x19: {  	v8 =	vshrl.u32 v0, $0xB;
	v10 =	vshll.u32 v2, $0x2;
	v0 =	vand.u32 $0xFFFFE000, v0  }
0x1a: {  	v11 =	vshrl.u32 v1, $0xB;
	v12 =	vshll.u32 v4, $0x2;
	v13 =	vshll.u32 v1, $0x2  }
0x1b: {  	v14 =	vand.u32 $0xFFFFE000, v2;
	v15 =	vshll.u32 v5, $0x2;
	v2 =	vshrl.u32 v2, $0xB  }
0x1c: {  	v16 =	vshrl.u32 v6, $0xB;
	v17 =	vshrl.u32 v4, $0xB;
	v18 =	vand.u32 $0xFFFFE000, v6  }
0x1d: {  	v19 =	vand.u32 $0xFFFFE000, v3;
	v20 =	vshll.u32 v9, $0x2;
	v1 =	vand.u32 $0xFFFFE000, v1  }
0x1e: {  	v6 =	vshll.u32 v6, $0x2;
	v7 =	vand.u32 $0x1FFC, v7;
	v8 =	vand.u32 $0x3, v8  }
0x1f: {  	v10 =	vand.u32 $0x1FFC, v10;
	v2 =	vand.u32 $0x3, v2;
	v20 =	vand.u32 $0x1FFC, v20  }
0x20: {  	v22 =	vld [tilespmem:s18+$0x30];
	v10 =	vor.u32 v14, v10;
	v0 =	vor.u32 v0, v7;
	v7 =	vand.u32 $0x1FFC, v12  }
0x21: {  	v2 =	vor.u32 v2, v10;
	v10 =	vand.u32 $0x1FFC, v13;
	v13 =	vshrl.u32 v9, $0xB  }
0x22: {  	v14 =	vld [tilespmem:s18+$0x0];
	v9 =	vand.u32 $0xFFFFE000, v9;
	v0 =	vor.u32 v8, v0;
	v8 =	vand.u32 $0x3, v11  }
0x23: {  	v13 =	vand.u32 $0x3, v13;
	v9 =	vor.u32 v9, v20;
	[tilespmem:s18+$0x50] =	vst v2;
	v2 =	vand.u32 $0xFFFFE000, v4  }
0x24: {  	v4 =	vshll.u32 v3, $0x2;
	v1 =	vor.u32 v1, v10;
	v3 =	vshrl.u32 v3, $0xB  }
0x25: {  	[tilespmem:s18+$0x90] =	vst v0;
	v10 =	vshll.u32 v22, $0x2;
	v0 =	vor.u32 v13, v9;
	v2 =	vor.u32 v2, v7  }
0x26: {  	v4 =	vand.u32 $0x1FFC, v4;
	v1 =	vor.u32 v8, v1;
	v3 =	vand.u32 $0x3, v3  }
0x27: {  	s19 =	simm.s32 $0xC8;
	v21 =	vld [tilespmem:s18+$0x10];
	[tilespmem:s18+$0x40] =	vst v0;
	v0 =	vand.u32 $0x3, v17;
	v4 =	vor.u32 v19, v4;
	v53 =	vand.u32 $0xFFFFE000, v14  }
0x28: {  	v7 =	vshll.u32 v14, $0x2;
	v0 =	vor.u32 v0, v2;
	v2 =	vld [tilespmem:s19+$0x90];
	[tilespmem:s18+$0xA0] =	vst v1;
	v3 =	vor.u32 v3, v4  }
0x29: {  	v4 =	vand.u32 $0x1FFC, v6;
	[tilespmem:s18+$0x80] =	vst v0;
	v0 =	vshrl.u32 v14, $0xB;
	v1 =	vand.u32 $0x1FFC, v7  }
0x2a: {  	v6 =	vand.u32 $0xFFFFE000, v22;
	v0 =	vand.u32 $0x3, v0;
	v1 =	vor.u32 v53, v1  }
0x2b: {  	v4 =	vor.u32 v18, v4;
	v7 =	vld [tilespmem:s19+$0xA0];
	[tilespmem:s18+$0x70] =	vst v3;
	v3 =	vand.u32 $0x3, v16;
	v0 =	vor.u32 v0, v1  }
0x2c: {  	v1 =	vshll.u32 v21, $0x2;
	v3 =	vor.u32 v3, v4;
	v4 =	vand.u32 $0xFFFFE000, v5  }
0x2d: {  	v9 =	vld [tilespmem:s19+$0x70];
	[tilespmem:s18+$0x0] =	vst v0;
	v0 =	vshrl.u32 v5, $0xB;
	v5 =	vand.u32 $0x1FFC, v15;
	v1 =	vand.u32 $0x1FFC, v1  }
0x2e: {  	v8 =	vld [tilespmem:s19+$0x50];
	v4 =	vor.u32 v4, v5;
	v0 =	vand.u32 $0x3, v0;
	[tilespmem:s18+$0x60] =	vst v3;
	v3 =	vshrl.u32 v22, $0xB  }
0x2f: {  	v5 =	vand.u32 $0x1FFC, v10;
	v0 =	vor.u32 v0, v4;
	v4 =	vshrl.u32 v21, $0xB  }
0x30: {  	v3 =	vand.u32 $0x3, v3;
	v5 =	vor.u32 v6, v5;
	v6 =	vand.u32 $0xFFFFE000, v21  }
0x31: {  	v3 =	vor.u32 v3, v5;
	v4 =	vand.u32 $0x3, v4;
	v1 =	vor.u32 v6, v1  }
0x32: {  	v10 =	vld [tilespmem:s19+$0x80];
	[tilespmem:s18+$0x20] =	vst v0;
	v5 =	vand.u32 $0xFFFFE000, v2;
	v13 =	vshrl.u32 v7, $0xB;
	v6 =	vshll.u32 v7, $0x2  }
0x33: {  	v24 =	vand.u32 $0xFFFFE000, v7;
	v0 =	vld [tilespmem:s19+$0x20];
	[tilespmem:s18+$0x30] =	vst v3;
	v1 =	vor.u32 v4, v1;
	v3 =	vshll.u32 v2, $0x2  }
0x34: {  	v4 =	vshrl.u32 v2, $0xB;
	v59 =	vand.u32 $0xFFFFE000, v9;
	v23 =	vand.u32 $0x1FFC, v6  }
0x35: {  	v25 =	vshll.u32 v9, $0x2;
	v7 =	vand.u32 $0x3, v13;
	v9 =	vshrl.u32 v9, $0xB  }
0x36: {  	v3 =	vand.u32 $0x1FFC, v3;
	v12 =	vand.u32 $0x3, v4;
	v13 =	vand.u32 $0x1FFC, v25  }
0x37: {  	v11 =	vld [tilespmem:s19+$0x60];
	[tilespmem:s18+$0x10] =	vst v1;
	v63 =	vand.u32 $0x3, v9;
	v1 =	vshll.u32 v8, $0x2;
	v15 =	vand.u32 $0xFFFFE000, v8  }
0x38: {  	v8 =	vshrl.u32 v8, $0xB;
	v3 =	vor.u32 v5, v3;
	v21 =	vor.u32 v59, v13  }
0x39: {  	v4 =	vld [tilespmem:s19+$0x40];
	v13 =	vor.u32 v24, v23;
	v2 =	vand.u32 $0x1FFC, v1;
	v14 =	vshll.u32 v10, $0x2  }
0x3a: {  	v57 =	vld [tilespmem:s19+$0x0];
	v56 =	vshrl.u32 v10, $0xB;
	v8 =	vand.u32 $0x3, v8;
	v12 =	vor.u32 v12, v3  }
0x3b: {  	v10 =	vand.u32 $0xFFFFE000, v10;
	v15 =	vor.u32 v15, v2;
	v14 =	vand.u32 $0x1FFC, v14  }
0x3c: {  	[tilespmem:s19+$0x90] =	vst v12;
	v12 =	vor.u32 v63, v21;
	v1 =	vshll.u32 v0, $0x2;
	v15 =	vor.u32 v8, v15  }
0x3d: {  	v54 =	vld [tilespmem:s19+$0x10];
	v14 =	vor.u32 v10, v14;
	v55 =	vshrl.u32 v11, $0xB;
	v58 =	vand.u32 $0xFFFFE000, v11  }
0x3e: {  	v11 =	vshll.u32 v11, $0x2;
	[tilespmem:s19+$0x50] =	vst v15;
	v15 =	vand.u32 $0x3, v56;
	v60 =	vshll.u32 v4, $0x2  }
0x3f: {  	v2 =	vld [tilespmem:s19+$0x30];
	v6 =	vshrl.u32 v4, $0xB;
	v4 =	vand.u32 $0xFFFFE000, v4;
	v5 =	vand.u32 $0xFFFFE000, v57  }
0x40: {  	v10 =	vshll.u32 v57, $0x2;
	v19 =	vshrl.u32 v57, $0xB;
	v62 =	vand.u32 $0x1FFC, v11  }
0x41: {  	v17 =	vand.u32 $0x3, v55;
	v14 =	vor.u32 v15, v14;
	v8 =	vand.u32 $0x1FFC, v60  }
0x42: {  	v61 =	vand.u32 $0x3, v6;
	v6 =	vshll.u32 v54, $0x2;
	v10 =	vand.u32 $0x1FFC, v10  }
0x43: {  	v11 =	vand.u32 $0x3, v19;
	v9 =	vor.u32 v58, v62;
	v8 =	vor.u32 v4, v8  }
0x44: {  	v4 =	vshrl.u32 v54, $0xB;
	v3 =	vand.u32 $0xFFFFE000, v2;
	v22 =	vor.u32 v61, v8  }
0x45: {  	s20 =	simm.s32 $0x640;
	v9 =	vor.u32 v17, v9;
	v4 =	vand.u32 $0x3, v4;
	v8 =	vand.u32 $0xFFFFE000, v54;
	[tilespmem:s19+$0x40] =	vst v22  }
.LBB2_2:
0x46: {  	s21 =	sshra.s32 s20, $0x2;
	p0 =	sne.s32 s20, $0x18CE0;
	s20 =	sadd.s32 $0x320, s20;
	v6 =	vand.u32 $0x1FFC, v6;
	v15 =	vshll.u32 v2, $0x2;
	v7 =	vor.u32 v7, v13;
	v13 =	vld [tilespmem:s18+$0xB0]  }
0x47: {  	v5 =	vor.u32 v5, v10;
	v16 =	vld [tilespmem:s21+$0x90];
	v6 =	vor.u32 v8, v6;
	v8 =	vshrl.u32 v0, $0xB;
	[tilespmem:s19+$0x80] =	vst v14  }
0x48: {  	v2 =	vshrl.u32 v2, $0xB;
	v0 =	vand.u32 $0xFFFFE000, v0;
	v4 =	vor.u32 v4, v6;
	[tilespmem:s19+$0xA0] =	vst v7  }
0x49: {  	v1 =	vand.u32 $0x1FFC, v1;
	v5 =	vor.u32 v11, v5;
	v2 =	vand.u32 $0x3, v2;
	v7 =	vld [tilespmem:s21+$0xA0];
	[tilespmem:s19+$0x70] =	vst v12  }
0x4a: {  	v0 =	vor.u32 v0, v1;
	v1 =	vand.u32 $0x3, v8;
	v11 =	vld [tilespmem:s21+$0x70];
	[tilespmem:s19+$0x0] =	vst v5;
	v5 =	vand.u32 $0x1FFC, v15  }
0x4b: {  	v0 =	vor.u32 v1, v0;
	v6 =	vld [tilespmem:s21+$0x50];
	v1 =	vor.u32 v3, v5;
	[tilespmem:s19+$0x60] =	vst v9;
	v3 =	vshrl.u32 v13, $0xB  }
0x4c: {  	v8 =	vld [tilespmem:s21+$0x80];
	[tilespmem:s19+$0x20] =	vst v0;
	v1 =	vor.u32 v2, v1;
	v2 =	vshll.u32 v13, $0x2;
	v3 =	vand.u32 $0x3, v3  }
0x4d: {  	v0 =	vld [tilespmem:s21+$0x20];
	[tilespmem:s19+$0x30] =	vst v1;
	v1 =	vand.u32 $0xFFFFE000, v13;
	v2 =	vand.u32 $0x1FFC, v2  }
0x4e: {  	v5 =	vshll.u32 v16, $0x2;
	v10 =	vshrl.u32 v16, $0xB;
	v9 =	vld [tilespmem:s21+$0x60];
	[tilespmem:s19+$0x10] =	vst v4;
	v1 =	vor.u32 v1, v2  }
0x4f: {  	v12 =	vand.u32 $0x1FFC, v5;
	v10 =	vand.u32 $0x3, v10;
	v1 =	vor.u32 v3, v1  }
0x50: {  	v13 =	vand.u32 $0xFFFFE000, v16;
	v14 =	vshrl.u32 v7, $0xB;
	v3 =	vld [tilespmem:s21+$0x40];
	v2 =	vshll.u32 v6, $0x2;
	[tilespmem:s18+$0xB0] =	vst v1  }
0x51: {  	v4 =	vshll.u32 v7, $0x2;
	v2 =	vand.u32 $0x1FFC, v2;
	v15 =	vshll.u32 v8, $0x2;
	v16 =	vld [tilespmem:s18+$0xB8]  }
0x52: {  	v5 =	vand.u32 $0xFFFFE000, v6;
	v6 =	vshrl.u32 v6, $0xB;
	v1 =	vshll.u32 v0, $0x2  }
0x53: {  	v19 =	vshrl.u32 v8, $0xB;
	v2 =	vor.u32 v5, v2;
	v17 =	vld [tilespmem:s21+$0x10];
	v18 =	vshrl.u32 v9, $0xB  }
0x54: {  	v22 =	vand.u32 $0xFFFFE000, v11;
	v5 =	vand.u32 $0x3, v6;
	v21 =	vand.u32 $0xFFFFE000, v9;
	v20 =	vld [tilespmem:s21+$0x0]  }
0x55: {  	v23 =	vand.u32 $0x1FFC, v4;
	v5 =	vor.u32 v5, v2;
	v6 =	vshll.u32 v3, $0x2  }
0x56: {  	v2 =	vld [tilespmem:s21+$0x30];
	v4 =	vand.u32 $0x1FFC, v6;
	v6 =	vshrl.u32 v3, $0xB;
	[tilespmem:s21+$0x50] =	vst v5;
	v24 =	vshll.u32 v16, $0x2  }
0x57: {  	v3 =	vand.u32 $0xFFFFE000, v3;
	v26 =	vshrl.u32 v16, $0xB;
	v25 =	vand.u32 $0x3, v6  }
0x58: {  	v28 =	vor.u32 v3, v4;
	v6 =	vshll.u32 v17, $0x2;
	v27 =	vshrl.u32 v17, $0xB  }
0x59: {  	v5 =	vand.u32 $0xFFFFE000, v20;
	v4 =	vand.u32 $0x3, v27;
	v27 =	vand.u32 $0xFFFFE000, v16  }
0x5a: {  	v12 =	vor.u32 v13, v12;
	v13 =	vand.u32 $0xFFFFE000, v7;
	v26 =	vand.u32 $0x3, v26  }
0x5b: {  	v7 =	vor.u32 v10, v12;
	v29 =	vand.u32 $0xFFFFE000, v8;
	v3 =	vand.u32 $0xFFFFE000, v2  }
0x5c: {  	v12 =	vshll.u32 v11, $0x2;
	v10 =	vand.u32 $0x1FFC, v15;
	[tilespmem:s21+$0x90] =	vst v7;
	v7 =	vand.u32 $0x3, v14  }
0x5d: {  	v15 =	vshrl.u32 v20, $0xB;
	v14 =	vshll.u32 v20, $0x2;
	v20 =	vand.u32 $0x1FFC, v24  }
0x5e: {  	v8 =	vand.u32 $0xFFFFE000, v17;
	v17 =	vor.u32 v25, v28;
	v24 =	vor.u32 v29, v10  }
0x5f: {  	v12 =	vand.u32 $0x1FFC, v12;
	v10 =	vand.u32 $0x1FFC, v14;
	v14 =	vor.u32 v27, v20;
	[tilespmem:s21+$0x40] =	vst v17  }
.Ltmp0:
0x60: {  	v11 =	vshrl.u32 v11, $0xB;
	v9 =	vshll.u32 v9, $0x2;
	v14 =	vor.u32 v26, v14;
	(pc) =	sbr.rel @p0 .LBB2_2-.Ltmp0, $4  }
0x61: {  	v12 =	vor.u32 v22, v12;
	v9 =	vand.u32 $0x1FFC, v9;
	v17 =	vand.u32 $0x3, v19  }
0x62: {  	v13 =	vor.u32 v13, v23;
	v18 =	vand.u32 $0x3, v18;
	v19 =	vand.u32 $0x3, v11  }
0x63: {  	v9 =	vor.u32 v21, v9;
	v11 =	vand.u32 $0x3, v15;
	v15 =	vsel vm0, v16, v14  }
0x64: {  	v9 =	vor.u32 v18, v9;
	v12 =	vor.u32 v19, v12;
	v14 =	vor.u32 v17, v24;
	[tilespmem:s18+$0xB8] =	vst v15;
	s18 =	smov.u32 s19;
	s19 =	smov.u32 s21  }
0x65: {  	v6 =	vand.u32 $0x1FFC, v6;
	v15 =	vshll.u32 v2, $0x2;
	v7 =	vor.u32 v7, v13;
	v43 =	vld [tilespmem:s18+$0xB0]  }
0x66: {  	v5 =	vor.u32 v5, v10;
	v44 =	vshrl.u32 v0, $0xB;
	[tilespmem:s19+$0x80] =	vst v14;
	v45 =	vand.u32 $0xFFFFE000, v0  }
0x67: {  	v46 =	vshrl.u32 v2, $0xB;
	v1 =	vand.u32 $0x1FFC, v1;
	[tilespmem:s19+$0x70] =	vst v12;
	v6 =	vor.u32 v8, v6  }
0x68: {  	[tilespmem:s19+$0x60] =	vst v9;
	v5 =	vor.u32 v11, v5;
	v0 =	vor.u32 v45, v1;
	v47 =	vand.u32 $0x3, v44  }
0x69: {  	[tilespmem:s19+$0xA0] =	vst v7;
	v2 =	vand.u32 $0x3, v46;
	v48 =	vand.u32 $0x1FFC, v15;
	v0 =	vor.u32 v47, v0  }
0x6a: {  	[tilespmem:s19+$0x0] =	vst v5;
	v49 =	vor.u32 v3, v48;
	v4 =	vor.u32 v4, v6;
	v51 =	vshll.u32 v43, $0x2  }
0x6b: {  	[tilespmem:s19+$0x20] =	vst v0;
	v50 =	vshrl.u32 v43, $0xB;
	v53 =	vand.u32 $0xFFFFE000, v43;
	v54 =	vand.u32 $0x1FFC, v51  }
0x6c: {  	v52 =	vor.u32 v2, v49;
	[tilespmem:s19+$0x10] =	vst v4;
	v3 =	vand.u32 $0x3, v50;
	v55 =	vor.u32 v53, v54  }
0x6d: {  	[tilespmem:s19+$0x30] =	vst v52;
	v0 =	vor.u32 v3, v55  }
0x6e: {  	[tilespmem:s18+$0xB0] =	vst v0  }
0x6f: {  	v0 =	vld [tilespmem:s18+$0xB8];
	_ =	sdelay $0x4  }
0x70: {  	v56 =	vshll.u32 v0, $0x2  }
0x71: {  	v57 =	vshrl.u32 v0, $0xB;
	v58 =	vand.u32 $0xFFFFE000, v0;
	v1 =	vand.u32 $0x1FFC, v56  }
0x72: {  	v2 =	vand.u32 $0x3, v57;
	v1 =	vor.u32 v58, v1  }
0x73: {  	v1 =	vor.u32 v2, v1  }
0x74: {  	v0 =	vsel vm0, v0, v1  }
0x75: {  	[tilespmem:s18+$0xB8] =	vst v0  }
0x76: {  	v0 =	vld [tilespmem:s19+$0xB0];
	_ =	sdelay $0x4  }
0x77: {  	v59 =	vshll.u32 v0, $0x2  }
0x78: {  	v60 =	vshrl.u32 v0, $0xB;
	v0 =	vand.u32 $0xFFFFE000, v0;
	v1 =	vand.u32 $0x1FFC, v59  }
0x79: {  	v2 =	vand.u32 $0x3, v60;
	v0 =	vor.u32 v0, v1  }
0x7a: {  	v0 =	vor.u32 v2, v0  }
0x7b: {  	[tilespmem:s19+$0xB0] =	vst v0  }
0x7c: {  	v0 =	vld [tilespmem:s19+$0xB8];
	_ =	sdelay $0x4  }
0x7d: {  	v61 =	vshll.u32 v0, $0x2  }
0x7e: {  	v62 =	vshrl.u32 v0, $0xB;
	v63 =	vand.u32 $0xFFFFE000, v0;
	v1 =	vand.u32 $0x1FFC, v61  }
0x7f: {  	v2 =	vand.u32 $0x3, v62;
	v1 =	vor.u32 v63, v1  }
0x80: {  	v1 =	vor.u32 v2, v1  }
0x81: {  	v0 =	vsel vm0, v0, v1  }
0x82: {  	s18 =	simm.s32 $0x0;
	[tilespmem:s19+$0xB8] =	vst v0  }
0x83: {  	[tilespmem:s9], [sflag:$0x1] =	stream.indirect.gather [hbm4b:s3+s8], $0x20, s18, s8, $0xb8;
	[tilespmem:$0xA600] =	vst v63  }
0x84: {  	_ = 	snop  }
0x85: {  	[tilespmem:s11], [sflag:$0x1] =	stream.indirect.gather [hbm4b:s3+s10], $0x20, s8, s10, $0xb8;
	[tilespmem:$0xA600] =	vst v63  }
.LBB2_4:
0x86: {  	s19 =	sshllo.u32 s18, $0x1  }
0x87: {  	s20 =	smul.u32 $0x320, s19;
	_ =	sdelay $0x1  }
0x88: {  	s20 =	sshra.s32 s20, $0x2  }
0x89: {  	[tilespmem:s12], [sflag:$0x2] =	stream.indirect.gather [hbm4b:s3+s8], $0x20, s20, s8, $0xb8;
	[tilespmem:$0xA600] =	vst v63  }
0x8a: {  	s20 =	sadd.s32 $0x78, s20  }
0x8b: {  	[tilespmem:s13], [sflag:$0x2] =	stream.indirect.gather [hbm4b:s3+s10], $0x20, s20, s10, $0xb8;
	[tilespmem:$0xA600] =	vst v63  }
0x8c: {  	_ =	swait.ge [sflag:s14], $0xF00  }
0x8d: {  	[sflag:s14] =	ssyncset.done $0x0  }
0x8e: {  	[sflag:s14] =	ssyncadd.s32 $0xFFFFF100  }
0x8f: {  	_ =	swait.ge [sflag:s14], $0xA00  }
0x90: {  	[sflag:s14] =	ssyncset.done $0x0  }
0x91: {  	s21 =	simm.s32 $0x0;
	[sflag:s14] =	ssyncadd.s32 $0xFFFFF600  }
0x92: {  	v0 =	vld [tilespmem:s21+$0x6400]  }
0x93: {  	v1 =	vld [tilespmem:s21+$0x6410]  }
0x94: {  	v2 =	vld [tilespmem:s21+$0x6420]  }
0x95: {  	v3 =	vld [tilespmem:s21+$0x6430]  }
0x96: {  	v4 =	vld [tilespmem:s21+$0x6440]  }
0x97: {  	v5 =	vimm.f32 $0.0e+00;
	v6 =	vld [tilespmem:s21+$0x6450]  }
0x98: {  	v7 =	vld [tilespmem:s21+$0x6470];
	v0 =	vadd.f32 v0, v5;
	v1 =	vadd.f32 v1, v5  }
0x99: {  	v5 =	vld [tilespmem:s21+$0x6460]  }
0x9a: {  	v8 =	vld [tilespmem:s21+$0x6490];
	v0 =	vadd.f32 v2, v0;
	v1 =	vadd.f32 v3, v1  }
0x9b: {  	v3 =	vld [tilespmem:s21+$0x6480]  }
0x9c: {  	v9 =	vld [tilespmem:s21+$0x64B0];
	v0 =	vadd.f32 v4, v0;
	v1 =	vadd.f32 v6, v1  }
0x9d: {  	v6 =	vld [tilespmem:s21+$0x64A0]  }
0x9e: {  	v2 =	vld [tilespmem:s21+$0x64D0];
	v0 =	vadd.f32 v5, v0;
	v4 =	vadd.f32 v7, v1  }
0x9f: {  	v1 =	vld [tilespmem:s21+$0x64C0]  }
0xa0: {  	v5 =	vadd.f32 v3, v0;
	v7 =	vadd.f32 v8, v4;
	v3 =	vld [tilespmem:s21+$0x64E0]  }
0xa1: {  	s20 =	simm.s32 $0x100;
	v4 =	vld [tilespmem:s21+$0x64F0]  }
0xa2: {  	v0 =	vld [tilespmem:s20+$0x6400];
	s21 =	simm.s32 $0x800;
	v6 =	vadd.f32 v6, v5;
	v5 =	vadd.f32 v9, v7  }
.LBB2_5:
0xa3: {  	p0 =	sne.s32 s21, $0x6000;
	v7 =	vld [tilespmem:s20+$0x6410]  }
0xa4: {  	v8 =	vld [tilespmem:s20+$0x6420];
	v1 =	vadd.f32 v1, v6;
	v2 =	vadd.f32 v2, v5  }
0xa5: {  	v5 =	vld [tilespmem:s20+$0x6430]  }
0xa6: {  	v6 =	vld [tilespmem:s20+$0x6440];
	v1 =	vadd.f32 v3, v1;
	v2 =	vadd.f32 v4, v2  }
0xa7: {  	v3 =	vld [tilespmem:s20+$0x6450]  }
0xa8: {  	v0 =	vadd.f32 v0, v1;
	v1 =	vadd.f32 v7, v2;
	v2 =	vld [tilespmem:s20+$0x6460]  }
0xa9: {  	v4 =	vld [tilespmem:s20+$0x6470]  }
0xaa: {  	v0 =	vadd.f32 v8, v0;
	v1 =	vadd.f32 v5, v1;
	v5 =	vld [tilespmem:s20+$0x6480]  }
0xab: {  	v7 =	vld [tilespmem:s20+$0x6490]  }
0xac: {  	v0 =	vadd.f32 v6, v0;
	v1 =	vadd.f32 v3, v1;
	v6 =	vld [tilespmem:s20+$0x64A0]  }
0xad: {  	v8 =	vld [tilespmem:s20+$0x64B0]  }
.Ltmp1:
0xae: {  	v0 =	vadd.f32 v2, v0;
	v3 =	vadd.f32 v4, v1;
	v1 =	vld [tilespmem:s20+$0x64C0];
	(pc) =	sbr.rel @p0 .LBB2_5-.Ltmp1, $4  }
0xaf: {  	v2 =	vld [tilespmem:s20+$0x64D0]  }
0xb0: {  	v5 =	vadd.f32 v5, v0;
	v7 =	vadd.f32 v7, v3;
	v3 =	vld [tilespmem:s20+$0x64E0]  }
0xb1: {  	v4 =	vld [tilespmem:s20+$0x64F0];
	s20 =	sshra.s32 s21, $0x2  }
0xb2: {  	s21 =	sadd.s32 $0x400, s21;
	v0 =	vld [tilespmem:s20+$0x6400];
	v6 =	vadd.f32 v6, v5;
	v5 =	vadd.f32 v8, v7  }
0xb3: {  	_ = 	snop  }
0xb4: {  	v7 =	vld [tilespmem:s20+$0x6410];
	v1 =	vadd.f32 v1, v6  }
0xb5: {  	v6 =	vld [tilespmem:s20+$0x6420];
	v2 =	vadd.f32 v2, v5  }
0xb6: {  	v5 =	vld [tilespmem:s20+$0x6430];
	v1 =	vadd.f32 v3, v1  }
0xb7: {  	v3 =	vld [tilespmem:s20+$0x6440];
	v2 =	vadd.f32 v4, v2  }
0xb8: {  	v4 =	vld [tilespmem:s20+$0x6450];
	v0 =	vadd.f32 v0, v1  }
0xb9: {  	v1 =	vadd.f32 v7, v2;
	v2 =	vld [tilespmem:s20+$0x6460]  }
0xba: {  	v7 =	vld [tilespmem:s20+$0x6470];
	v0 =	vadd.f32 v6, v0  }
0xbb: {  	v1 =	vadd.f32 v5, v1;
	v5 =	vld [tilespmem:s20+$0x6480]  }
0xbc: {  	v6 =	vld [tilespmem:s20+$0x6490];
	v0 =	vadd.f32 v3, v0  }
0xbd: {  	v1 =	vadd.f32 v4, v1;
	v3 =	vld [tilespmem:s20+$0x64A0]  }
0xbe: {  	v4 =	vld [tilespmem:s20+$0x64B0];
	v0 =	vadd.f32 v2, v0  }
0xbf: {  	v1 =	vadd.f32 v7, v1;
	v2 =	vld [tilespmem:s20+$0x64C0]  }
0xc0: {  	v7 =	vld [tilespmem:s20+$0x64D0];
	v0 =	vadd.f32 v5, v0  }
0xc1: {  	v1 =	vadd.f32 v6, v1;
	v5 =	vld [tilespmem:s20+$0x64E0]  }
0xc2: {  	v6 =	vld [tilespmem:s20+$0x64F0];
	v0 =	vadd.f32 v3, v0  }
0xc3: {  	v1 =	vadd.f32 v4, v1  }
0xc4: {  	v0 =	vadd.f32 v2, v0  }
0xc5: {  	p0 =	seq.s32 s18, $0x3F;
	v1 =	vadd.f32 v7, v1  }
0xc6: {  	s30 =	sshll.u32 s18, $0x6;
	s21 =	smul.u32 @!p0 $0x640, s18;
	v0 =	vadd.f32 v5, v0  }
0xc7: {  	s20 =	sand.u32 $0x3FFFFFC0, s30;
	v1 =	vadd.f32 v6, v1  }
0xc8: {  	s21 =	sshra.s32 @!p0 s21, $0x2;
	[tilespmem:s20+$0x9600] =	vst v0  }
0xc9: {  	s22 =	simm.s32 @!p0 $0x78;
	s23 =	simm.s32 @!p0 $0x6400;
	[tilespmem:s20+$0x9610] =	vst v1;
	s20 =	sadd.s32 @!p0 $0x190, s21  }
0xca: {  	[tilespmem:s23], [sflag:$0x1] =	stream.indirect.gather @!p0 [hbm4b:s3+s22], $0x20, s20, s22, $0xb8;
	[tilespmem:$0xA600] =	vst v63  }
0xcb: {  	s20 =	sadd.s32 @!p0 $0x208, s21;
	s21 =	simm.s32 @!p0 $0x50;
	s22 =	simm.s32 @!p0 $0x7300  }
0xcc: {  	[tilespmem:s22], [sflag:$0x1] =	stream.indirect.gather @!p0 [hbm4b:s3+s21], $0x20, s20, s21, $0xb8;
	[tilespmem:$0xA600] =	vst v63  }
0xcd: {  	_ =	swait.ge [sflag:s15], $0xF00  }
0xce: {  	[sflag:s15] =	ssyncset.done $0x0  }
0xcf: {  	[sflag:s15] =	ssyncadd.s32 $0xFFFFF100  }
0xd0: {  	_ =	swait.ge [sflag:s15], $0xA00  }
0xd1: {  	[sflag:s15] =	ssyncset.done $0x0  }
0xd2: {  	s31 =	simm.s32 $0x0;
	[sflag:s15] =	ssyncadd.s32 $0xFFFFF600  }
0xd3: {  	v0 =	vld [tilespmem:s31+$0x7D00]  }
0xd4: {  	v1 =	vld [tilespmem:s31+$0x7D10]  }
0xd5: {  	v2 =	vld [tilespmem:s31+$0x7D20]  }
0xd6: {  	v3 =	vld [tilespmem:s31+$0x7D30]  }
0xd7: {  	v4 =	vld [tilespmem:s31+$0x7D40]  }
0xd8: {  	v5 =	vimm.f32 $0.0e+00;
	v6 =	vld [tilespmem:s31+$0x7D50]  }
0xd9: {  	v7 =	vld [tilespmem:s31+$0x7D70];
	v0 =	vadd.f32 v0, v5;
	v1 =	vadd.f32 v1, v5  }
0xda: {  	v5 =	vld [tilespmem:s31+$0x7D60]  }
0xdb: {  	v8 =	vld [tilespmem:s31+$0x7D90];
	v0 =	vadd.f32 v2, v0;
	v1 =	vadd.f32 v3, v1  }
0xdc: {  	v3 =	vld [tilespmem:s31+$0x7D80]  }
0xdd: {  	v9 =	vld [tilespmem:s31+$0x7DB0];
	v0 =	vadd.f32 v4, v0;
	v1 =	vadd.f32 v6, v1  }
0xde: {  	v6 =	vld [tilespmem:s31+$0x7DA0]  }
0xdf: {  	v2 =	vld [tilespmem:s31+$0x7DD0];
	v0 =	vadd.f32 v5, v0;
	v4 =	vadd.f32 v7, v1  }
0xe0: {  	v1 =	vld [tilespmem:s31+$0x7DC0]  }
0xe1: {  	v5 =	vadd.f32 v3, v0;
	v7 =	vadd.f32 v8, v4;
	v3 =	vld [tilespmem:s31+$0x7DE0]  }
0xe2: {  	s20 =	simm.s32 $0x100;
	v4 =	vld [tilespmem:s31+$0x7DF0]  }
0xe3: {  	s21 =	simm.s32 $0x800;
	v0 =	vld [tilespmem:s20+$0x7D00];
	v6 =	vadd.f32 v6, v5;
	v5 =	vadd.f32 v9, v7  }
.LBB2_7:
0xe4: {  	p0 =	sne.s32 s21, $0x6000;
	v7 =	vld [tilespmem:s20+$0x7D10]  }
0xe5: {  	v8 =	vld [tilespmem:s20+$0x7D20];
	v1 =	vadd.f32 v1, v6;
	v2 =	vadd.f32 v2, v5  }
0xe6: {  	v5 =	vld [tilespmem:s20+$0x7D30]  }
0xe7: {  	v6 =	vld [tilespmem:s20+$0x7D40];
	v1 =	vadd.f32 v3, v1;
	v2 =	vadd.f32 v4, v2  }
0xe8: {  	v3 =	vld [tilespmem:s20+$0x7D50]  }
0xe9: {  	v0 =	vadd.f32 v0, v1;
	v1 =	vadd.f32 v7, v2;
	v2 =	vld [tilespmem:s20+$0x7D60]  }
0xea: {  	v4 =	vld [tilespmem:s20+$0x7D70]  }
0xeb: {  	v0 =	vadd.f32 v8, v0;
	v1 =	vadd.f32 v5, v1;
	v5 =	vld [tilespmem:s20+$0x7D80]  }
0xec: {  	v7 =	vld [tilespmem:s20+$0x7D90]  }
0xed: {  	v0 =	vadd.f32 v6, v0;
	v1 =	vadd.f32 v3, v1;
	v6 =	vld [tilespmem:s20+$0x7DA0]  }
0xee: {  	v8 =	vld [tilespmem:s20+$0x7DB0]  }
.Ltmp2:
0xef: {  	v0 =	vadd.f32 v2, v0;
	v3 =	vadd.f32 v4, v1;
	v1 =	vld [tilespmem:s20+$0x7DC0];
	(pc) =	sbr.rel @p0 .LBB2_7-.Ltmp2, $4  }
0xf0: {  	v2 =	vld [tilespmem:s20+$0x7DD0]  }
0xf1: {  	v5 =	vadd.f32 v5, v0;
	v7 =	vadd.f32 v7, v3;
	v3 =	vld [tilespmem:s20+$0x7DE0]  }
0xf2: {  	v4 =	vld [tilespmem:s20+$0x7DF0];
	s20 =	sshra.s32 s21, $0x2  }
0xf3: {  	s21 =	sadd.s32 $0x400, s21;
	v0 =	vld [tilespmem:s20+$0x7D00];
	v6 =	vadd.f32 v6, v5;
	v5 =	vadd.f32 v8, v7  }
0xf4: {  	_ = 	snop  }
0xf5: {  	v7 =	vld [tilespmem:s20+$0x7D10];
	v1 =	vadd.f32 v1, v6  }
0xf6: {  	v49 =	vld [tilespmem:s20+$0x7D20];
	v2 =	vadd.f32 v2, v5  }
0xf7: {  	v50 =	vld [tilespmem:s20+$0x7D30];
	v1 =	vadd.f32 v3, v1  }
0xf8: {  	v51 =	vld [tilespmem:s20+$0x7D40];
	v2 =	vadd.f32 v4, v2  }
0xf9: {  	v52 =	vld [tilespmem:s20+$0x7D50];
	v0 =	vadd.f32 v0, v1  }
0xfa: {  	v54 =	vld [tilespmem:s20+$0x7D60];
	v53 =	vadd.f32 v7, v2  }
0xfb: {  	v55 =	vld [tilespmem:s20+$0x7D70];
	v0 =	vadd.f32 v49, v0  }
0xfc: {  	v56 =	vld [tilespmem:s20+$0x7D80];
	v1 =	vadd.f32 v50, v53  }
0xfd: {  	v57 =	vld [tilespmem:s20+$0x7D90];
	v0 =	vadd.f32 v51, v0  }
0xfe: {  	v58 =	vld [tilespmem:s20+$0x7DA0];
	v1 =	vadd.f32 v52, v1  }
0xff: {  	v59 =	vld [tilespmem:s20+$0x7DB0];
	v0 =	vadd.f32 v54, v0  }
0x100: {  	v60 =	vld [tilespmem:s20+$0x7DC0];
	v1 =	vadd.f32 v55, v1  }
0x101: {  	v61 =	vld [tilespmem:s20+$0x7DD0];
	v0 =	vadd.f32 v56, v0  }
0x102: {  	v62 =	vld [tilespmem:s20+$0x7DE0];
	v1 =	vadd.f32 v57, v1  }
0x103: {  	v63 =	vld [tilespmem:s20+$0x7DF0];
	v0 =	vadd.f32 v58, v0  }
0x104: {  	s18 =	sadd.s32 $0x1, s18;
	v1 =	vadd.f32 v59, v1  }
0x105: {  	p0 =	sne.s32 s18, $0x40;
	v0 =	vadd.f32 v60, v0  }
.Ltmp3:
0x106: {  	v1 =	vadd.f32 v61, v1;
	(pc) =	sbr.rel @p0 .LBB2_4-.Ltmp3, $4  }
0x107: {  	s19 =	sshll.u32 s19, $0x5;
	v0 =	vadd.f32 v62, v0  }
0x108: {  	s19 =	sand.u32 $0x3FFFFFE0, s19;
	v1 =	vadd.f32 v63, v1  }
0x109: {  	[tilespmem:s19+$0x9600] =	vst v0  }
0x10a: {  	[tilespmem:s19+$0x9610] =	vst v1  }
0x10b: {  	s17 =	sadd.s32 $0x1, s17  }
0x10c: {  	p0 =	sne.s32 s17, s6  }
.Ltmp4:
0x10d: {  	_ = 	snop;
	(pc) =	sbr.rel @p0 .LBB2_1-.Ltmp4, $4  }
0x10e: {  	[hbm4b:s5+s2] =	stream.linear.scatter [tilespmem:s16], [sflag:$0x3], $0x1000, $0x38;
	[tilespmem:$0xA600] =	vst v63  }
0x10f: {  	_ =	swait.ge [sflag:s7], $0x1000  }
0x110: {  	[sflag:s7] =	ssyncset.done $0x0  }
0x111: {  	[sflag:s7] =	ssyncadd.s32 $0xFFFFF000  }
0x112: {  	_ =	sfence.sel $0x180000  }
0x113: {  	[bflag:$0x0] =	sbarrier.arrive $0xFFFF  }
0x114: {  	p0 =	sne.s32 s0, $0x0;
	_ =	strace $0x90000047  }
0x115: {  	s0 =	sadd.s32 @!p0 $0x100000, s1;
	[bflag:$0x2] =	sbarrier.arrive $0xFFFF  }
0x116: {  	[sflag:s0] =	ssyncadd.tile.s32 @!p0 $0x1;
	_ =	shalt  }
.Lfunc_end2:
_tile_overlayer_lowered:
.L_overlay_start_2:
0x117: {  	(tag) =	ssettag $0x2  }
0x118: {  	s0 =	rddreg [dreg:$0x0];
	s2 =	stileid.u32  }
0x119: {  	s1 =	rddreg [dreg:$0x1];
	p0 =	sne.s32 s2, $0x0  }
0x11a: {  	s3 =	rddreg [dreg:$0x2];
	[bflag:$0x3] =	sbarrier.arrive $0xFFFF;
	s2 =	simm.s32 @!p0 $0x1C03  }
0x11b: {  	[timem:s3], [sflag:s2] =	dma.local @!p0 [hbm:s0], s1  }
0x11c: {  	s0 =	simm.s32 @!p0 $0x3  }
0x11d: {  	_ =	swait.ge @!p0 [sflag:s0], s1  }
0x11e: {  	s1 =	ssub.s32 @!p0 $0x0, s1;
	[sflag:s0] =	ssyncset.done @!p0 $0x0  }
0x11f: {  	[sflag:s0] =	ssyncadd.s32 @!p0 s1  }
0x120: {  	[bflag:$0x3] =	sbarrier.arrive $0xFFFF  }
0x121: {  	_ =	shalt  }

</sc_bundles>
